<compile_context>
chip_gen: v7x
topology: tpu7x:2x2x1
jax: 0.10.2.dev20260603
libtpu: 0.0.44.dev20260713+nightly
codegen_flags: <defaults>
</compile_context>

<pallas_src>
import functools

import jax
import jax.numpy as jnp
from jax import lax
from jax.experimental import pallas as pl
from jax.experimental.pallas import tpu as pltpu
from jax.experimental.pallas import tpu_sc as plsc

NUM_EMBEDDINGS = 8192
LATENT_DIM = 256
N_TOKENS = 8192

BT = 512
BC = 512
N_CHUNKS = NUM_EMBEDDINGS // BC


def _argmin_body(x_ref, w_ref, idx_ref, wn_ref):
    @pl.when(pl.program_id(0) == 0)
    def _():
        for c in range(N_CHUNKS):
            wc = w_ref[pl.ds(c * BC, BC), :]
            wn_ref[:, pl.ds(c * BC, BC)] = jnp.sum(wc * wc, axis=1)[None, :]

    x = x_ref[...]
    xn = jnp.sum(x * x, axis=1, keepdims=True)
    x2 = -2.0 * x
    run_min = jnp.full((BT, 1), jnp.inf, dtype=jnp.float32)
    run_base = jnp.zeros((BT, 1), dtype=jnp.int32)
    s_win = jnp.zeros((BT, BC), dtype=jnp.float32)
    for c in range(N_CHUNKS):
        w = w_ref[pl.ds(c * BC, BC), :]
        wn = wn_ref[:, pl.ds(c * BC, BC)]
        mm = jax.lax.dot_general(
            x2, w, (((1,), (1,)), ((), ())),
            preferred_element_type=jnp.float32)
        s = (xn + wn) + mm
        bmin = jnp.min(s, axis=1, keepdims=True)
        upd = bmin < run_min
        run_min = jnp.where(upd, bmin, run_min)
        run_base = jnp.where(upd, c * BC, run_base)
        s_win = jnp.where(upd, s, s_win)
    lane = jax.lax.broadcasted_iota(
        jnp.int32, (BT, BC), 1).astype(jnp.float32)
    cand = (s_win - run_min) * 1e30 + lane
    barg = jnp.min(cand, axis=1, keepdims=True).astype(jnp.int32)
    idx_ref[...] = barg + run_base


def _argmin_indices(x, w):
    return pl.pallas_call(
        _argmin_body,
        grid=(N_TOKENS // BT,),
        in_specs=[
            pl.BlockSpec((BT, LATENT_DIM), lambda t: (t, 0)),
            pl.BlockSpec((NUM_EMBEDDINGS, LATENT_DIM), lambda t: (0, 0)),
        ],
        out_specs=pl.BlockSpec((BT, 1), lambda t: (t, 0)),
        out_shape=jax.ShapeDtypeStruct((N_TOKENS, 1), jnp.int32),
        scratch_shapes=[pltpu.VMEM((1, NUM_EMBEDDINGS), jnp.float32)],
    )(x, w)


_SC_ROWS_PER_WORKER = N_TOKENS // 32
_SC_CHUNK = 128
_SC_NCHUNK = _SC_ROWS_PER_WORKER // _SC_CHUNK


def _sc_gather(table, idx):
    mesh = plsc.VectorSubcoreMesh(core_axis_name="c", subcore_axis_name="s")

    @functools.partial(
        pl.kernel, mesh=mesh,
        out_type=jax.ShapeDtypeStruct((N_TOKENS, LATENT_DIM), jnp.float32),
        scratch_types=[
            pltpu.VMEM((_SC_NCHUNK, _SC_CHUNK), jnp.int32),
            pltpu.VMEM((_SC_NCHUNK, _SC_CHUNK, LATENT_DIM), jnp.float32),
            pltpu.SemaphoreType.DMA,
            pltpu.SemaphoreType.DMA,
        ],
    )
    def k(table_hbm, idx_hbm, out_hbm, idx_v, rows_v, sem, wsem):
        wid = lax.axis_index("s") * 2 + lax.axis_index("c")
        base = wid * _SC_ROWS_PER_WORKER
        for j in range(_SC_NCHUNK):
            pltpu.sync_copy(idx_hbm.at[pl.ds(base + j * _SC_CHUNK, _SC_CHUNK)],
                            idx_v.at[j])
        cps = [pltpu.async_copy(table_hbm.at[idx_v.at[j]], rows_v.at[j], sem)
               for j in range(_SC_NCHUNK)]
        wcps = []
        for j in range(_SC_NCHUNK):
            cps[j].wait()
            wcps.append(pltpu.async_copy(
                rows_v.at[j],
                out_hbm.at[pl.ds(base + j * _SC_CHUNK, _SC_CHUNK)], wsem))
        for wcp in wcps:
            wcp.wait()

    return k(table, idx)


def kernel(x, embedding_weight):
    idx = _argmin_indices(x, embedding_weight)
    return _sc_gather(embedding_weight, idx[:, 0])

# --- scband reference (transcript-rebuilt; emitter-appended) ---
"""Pipeline reference for scband-cvqvaecodebook-39290360824453 (READ-ONLY COPY).

The authoritative reference and input builder live on the scoring server;
editing this copy changes nothing except your own understanding.
"""

import jax, jax.numpy as jnp
import numpy as np

NUM_EMBEDDINGS = 8192
LATENT_DIM = 256
N_TOKENS = 8192


def setup_inputs(seed: int = 0) -> dict:
    key = jax.random.key(seed)
    kx, kw = jax.random.split(key)
    x = jax.random.normal(kx, (N_TOKENS, LATENT_DIM), dtype=jnp.float32)
    # nn.Embedding weight; original code fills with the degenerate constant
    # -1/num_embeddings (uniform_(-1/K, -1/K)), which makes argmin trivial.
    # Use a small random init of comparable scale for a meaningful benchmark.
    embedding_weight = jax.random.uniform(
        kw, (NUM_EMBEDDINGS, LATENT_DIM), dtype=jnp.float32,
        minval=-1.0 / NUM_EMBEDDINGS, maxval=1.0 / NUM_EMBEDDINGS)
    return {"x": x, "embedding_weight": embedding_weight}


def reference(x, embedding_weight):
    # distances[i, j] = ||x_i||^2 + ||w_j||^2 - 2 x_i . w_j
    distances = (jnp.sum(x ** 2, axis=1, keepdims=True)
                 + jnp.sum(embedding_weight ** 2, axis=1)
                 - 2.0 * jnp.matmul(x, embedding_weight.T))
    codebook_indices = jnp.argmin(distances, axis=1)
    z_q = jnp.take(embedding_weight, codebook_indices, axis=0)
    return z_q

if __name__ == "__main__":
    import jax
    _d = setup_inputs()
    print(jax.jit(kernel)(*tuple(_d.values())))

</pallas_src>

<mosaic_0001>
#map = affine_map<(d0, d1) -> (0, 0)>
#map1 = affine_map<(d0, d1) -> (0)>
module attributes {stable_mosaic.version = 14 : i64} {
  func.func @k(%arg0: i32, %arg1: i32, %arg2: memref<8192x256xf32, #tpu.memory_space<hbm>>, %arg3: memref<8192xi32, #tpu.memory_space<hbm>>, %arg4: memref<8192x256xf32, #tpu.memory_space<hbm>>, %arg5: memref<2x128xi32, #tpu.memory_space<vmem>>, %arg6: memref<2x128x256xf32, #tpu.memory_space<vmem>>, %arg7: memref<!tpu.dma_semaphore, #tpu.memory_space<semaphore_mem>>, %arg8: memref<!tpu.dma_semaphore, #tpu.memory_space<semaphore_mem>>) attributes {dimension_semantics = [#tpu.dimension_semantics<core_parallel>, #tpu.dimension_semantics<subcore_parallel>], iteration_bounds = array<i64: 2, 16>, scalar_prefetch = 0 : i64, scratch_operands = 4 : i64, tpu.core_type = #tpu.core_type<sc_vector_subcore>, window_params = [{transform_indices = #map}, {transform_indices = #map1}, {transform_indices = #map}]} {
    %mul3A = arith.constant 2 : i32
    %mul3A_0 = arith.muli %arg1, %mul3A : i32
    %add3A = arith.addi %mul3A_0, %arg0 : i32
    %mul3A_1 = arith.constant 256 : i32
    %mul3A_2 = arith.muli %add3A, %mul3A_1 : i32
    %add3A_3 = arith.constant 0 : i32
    %add3A_4 = arith.addi %mul3A_2, %add3A_3 : i32
    %run_scoped3A = arith.constant 0 : i32
    "tpu.region"() ({
      %run_scoped3A_110 = tpu.sem_alloc : memref<!tpu.dma_semaphore, #tpu.memory_space<semaphore_mem>>
      %dma_start3A_111 = arith.constant 0 : i32
      %dma_start3A_112 = tpu.memref_slice %arg5[%run_scoped3A, %dma_start3A_111] : memref<2x128xi32, #tpu.memory_space<vmem>> -> memref<1x128xi32, #tpu.memory_space<vmem>>
      %dma_start3A_113 = tpu.memref_squeeze %dma_start3A_112 : memref<1x128xi32, #tpu.memory_space<vmem>> -> memref<128xi32, #tpu.memory_space<vmem>>
      %dma_start3A_114 = tpu.memref_slice %arg3[%add3A_4] : memref<8192xi32, #tpu.memory_space<hbm>> -> memref<128xi32, #tpu.memory_space<hbm>>
      %dma_start3A_115 = arith.constant 0 : i32
      %dma_start3A_116 = tpu.memref_slice %arg5[%run_scoped3A, %dma_start3A_115] : memref<2x128xi32, #tpu.memory_space<vmem>> -> memref<1x128xi32, #tpu.memory_space<vmem>>
      %dma_start3A_117 = tpu.memref_squeeze %dma_start3A_116 : memref<1x128xi32, #tpu.memory_space<vmem>> -> memref<128xi32, #tpu.memory_space<vmem>>
      %dma_start3A_118 = tpu.memref_slice %arg3[%add3A_4] : memref<8192xi32, #tpu.memory_space<hbm>> -> memref<128xi32, #tpu.memory_space<hbm>>
      tpu.enqueue_dma source(%dma_start3A_118 : memref<128xi32, #tpu.memory_space<hbm>>) target(%dma_start3A_117 : memref<128xi32, #tpu.memory_space<vmem>>) target_semaphore(%run_scoped3A_110 : memref<!tpu.dma_semaphore, #tpu.memory_space<semaphore_mem>>)
      %dma_wait3A_119 = arith.constant 0 : i32
      %dma_wait3A_120 = tpu.memref_slice %arg5[%run_scoped3A, %dma_wait3A_119] : memref<2x128xi32, #tpu.memory_space<vmem>> -> memref<1x128xi32, #tpu.memory_space<vmem>>
      %dma_wait3A_121 = tpu.memref_squeeze %dma_wait3A_120 : memref<1x128xi32, #tpu.memory_space<vmem>> -> memref<128xi32, #tpu.memory_space<vmem>>
      %dma_wait3A_122 = tpu.memref_slice %arg3[%add3A_4] : memref<8192xi32, #tpu.memory_space<hbm>> -> memref<128xi32, #tpu.memory_space<hbm>>
      %dma_wait3A_123 = arith.constant 0 : i32
      %dma_wait3A_124 = tpu.memref_slice %arg5[%run_scoped3A, %dma_wait3A_123] : memref<2x128xi32, #tpu.memory_space<vmem>> -> memref<1x128xi32, #tpu.memory_space<vmem>>
      %dma_wait3A_125 = tpu.memref_squeeze %dma_wait3A_124 : memref<1x128xi32, #tpu.memory_space<vmem>> -> memref<128xi32, #tpu.memory_space<vmem>>
      %dma_wait3A_126 = tpu.memref_slice %arg3[%add3A_4] : memref<8192xi32, #tpu.memory_space<hbm>> -> memref<128xi32, #tpu.memory_space<hbm>>
      tpu.wait_dma2 semaphore(%run_scoped3A_110 : memref<!tpu.dma_semaphore, #tpu.memory_space<semaphore_mem>>) src(%dma_wait3A_126 : memref<128xi32, #tpu.memory_space<hbm>>) dst(%dma_wait3A_125 : memref<128xi32, #tpu.memory_space<vmem>>)
      tpu.yield
    }) : () -> ()
    %add3A_5 = arith.constant 128 : i32
    %add3A_6 = arith.addi %mul3A_2, %add3A_5 : i32
    %run_scoped3A_7 = arith.constant 1 : i32
    "tpu.region"() ({
      %run_scoped3A_110 = tpu.sem_alloc : memref<!tpu.dma_semaphore, #tpu.memory_space<semaphore_mem>>
      %dma_start3A_111 = arith.constant 0 : i32
      %dma_start3A_112 = tpu.memref_slice %arg5[%run_scoped3A_7, %dma_start3A_111] : memref<2x128xi32, #tpu.memory_space<vmem>> -> memref<1x128xi32, #tpu.memory_space<vmem>>
      %dma_start3A_113 = tpu.memref_squeeze %dma_start3A_112 : memref<1x128xi32, #tpu.memory_space<vmem>> -> memref<128xi32, #tpu.memory_space<vmem>>
      %dma_start3A_114 = tpu.memref_slice %arg3[%add3A_6] : memref<8192xi32, #tpu.memory_space<hbm>> -> memref<128xi32, #tpu.memory_space<hbm>>
      %dma_start3A_115 = arith.constant 0 : i32
      %dma_start3A_116 = tpu.memref_slice %arg5[%run_scoped3A_7, %dma_start3A_115] : memref<2x128xi32, #tpu.memory_space<vmem>> -> memref<1x128xi32, #tpu.memory_space<vmem>>
      %dma_start3A_117 = tpu.memref_squeeze %dma_start3A_116 : memref<1x128xi32, #tpu.memory_space<vmem>> -> memref<128xi32, #tpu.memory_space<vmem>>
      %dma_start3A_118 = tpu.memref_slice %arg3[%add3A_6] : memref<8192xi32, #tpu.memory_space<hbm>> -> memref<128xi32, #tpu.memory_space<hbm>>
      tpu.enqueue_dma source(%dma_start3A_118 : memref<128xi32, #tpu.memory_space<hbm>>) target(%dma_start3A_117 : memref<128xi32, #tpu.memory_space<vmem>>) target_semaphore(%run_scoped3A_110 : memref<!tpu.dma_semaphore, #tpu.memory_space<semaphore_mem>>)
      %dma_wait3A_119 = arith.constant 0 : i32
      %dma_wait3A_120 = tpu.memref_slice %arg5[%run_scoped3A_7, %dma_wait3A_119] : memref<2x128xi32, #tpu.memory_space<vmem>> -> memref<1x128xi32, #tpu.memory_space<vmem>>
      %dma_wait3A_121 = tpu.memref_squeeze %dma_wait3A_120 : memref<1x128xi32, #tpu.memory_space<vmem>> -> memref<128xi32, #tpu.memory_space<vmem>>
      %dma_wait3A_122 = tpu.memref_slice %arg3[%add3A_6] : memref<8192xi32, #tpu.memory_space<hbm>> -> memref<128xi32, #tpu.memory_space<hbm>>
      %dma_wait3A_123 = arith.constant 0 : i32
      %dma_wait3A_124 = tpu.memref_slice %arg5[%run_scoped3A_7, %dma_wait3A_123] : memref<2x128xi32, #tpu.memory_space<vmem>> -> memref<1x128xi32, #tpu.memory_space<vmem>>
      %dma_wait3A_125 = tpu.memref_squeeze %dma_wait3A_124 : memref<1x128xi32, #tpu.memory_space<vmem>> -> memref<128xi32, #tpu.memory_space<vmem>>
      %dma_wait3A_126 = tpu.memref_slice %arg3[%add3A_6] : memref<8192xi32, #tpu.memory_space<hbm>> -> memref<128xi32, #tpu.memory_space<hbm>>
      tpu.wait_dma2 semaphore(%run_scoped3A_110 : memref<!tpu.dma_semaphore, #tpu.memory_space<semaphore_mem>>) src(%dma_wait3A_126 : memref<128xi32, #tpu.memory_space<hbm>>) dst(%dma_wait3A_125 : memref<128xi32, #tpu.memory_space<vmem>>)
      tpu.yield
    }) : () -> ()
    %dma_start3A = arith.constant 0 : i32
    %dma_start3A_8 = arith.constant 0 : i32
    %dma_start3A_9 = arith.constant 0 : i32
    %dma_start3A_10 = arith.constant 0 : i32
    %dma_start3A_11 = tpu.memref_slice %arg6[%dma_start3A_8, %dma_start3A_9, %dma_start3A_10] : memref<2x128x256xf32, #tpu.memory_space<vmem>> -> memref<1x128x256xf32, #tpu.memory_space<vmem>>
    %dma_start3A_12 = tpu.memref_squeeze %dma_start3A_11 : memref<1x128x256xf32, #tpu.memory_space<vmem>> -> memref<128x256xf32, #tpu.memory_space<vmem>>
    %dma_start3A_13 = arith.constant 0 : i32
    %dma_start3A_14 = tpu.memref_slice %arg5[%dma_start3A, %dma_start3A_13] : memref<2x128xi32, #tpu.memory_space<vmem>> -> memref<1x128xi32, #tpu.memory_space<vmem>>
    %dma_start3A_15 = tpu.memref_squeeze %dma_start3A_14 : memref<1x128xi32, #tpu.memory_space<vmem>> -> memref<128xi32, #tpu.memory_space<vmem>>
    %dma_start3A_16 = arith.constant 0 : i32
    %dma_start3A_17 = arith.constant 0 : i32
    %dma_start3A_18 = tpu.memref_slice %arg2[%dma_start3A_16, %dma_start3A_17] : memref<8192x256xf32, #tpu.memory_space<hbm>> -> memref<8192x256xf32, #tpu.memory_space<hbm>>
    tpu.enqueue_indirect_dma source(%dma_start3A_18 : memref<8192x256xf32, #tpu.memory_space<hbm>>) target(%dma_start3A_12 : memref<128x256xf32, #tpu.memory_space<vmem>>) offsets(%dma_start3A_15 : memref<128xi32, #tpu.memory_space<vmem>>) semaphore(%arg7 : memref<!tpu.dma_semaphore, #tpu.memory_space<semaphore_mem>>)
    %dma_start3A_19 = arith.constant 1 : i32
    %dma_start3A_20 = arith.constant 1 : i32
    %dma_start3A_21 = arith.constant 0 : i32
    %dma_start3A_22 = arith.constant 0 : i32
    %dma_start3A_23 = tpu.memref_slice %arg6[%dma_start3A_20, %dma_start3A_21, %dma_start3A_22] : memref<2x128x256xf32, #tpu.memory_space<vmem>> -> memref<1x128x256xf32, #tpu.memory_space<vmem>>
    %dma_start3A_24 = tpu.memref_squeeze %dma_start3A_23 : memref<1x128x256xf32, #tpu.memory_space<vmem>> -> memref<128x256xf32, #tpu.memory_space<vmem>>
    %dma_start3A_25 = arith.constant 0 : i32
    %dma_start3A_26 = tpu.memref_slice %arg5[%dma_start3A_19, %dma_start3A_25] : memref<2x128xi32, #tpu.memory_space<vmem>> -> memref<1x128xi32, #tpu.memory_space<vmem>>
    %dma_start3A_27 = tpu.memref_squeeze %dma_start3A_26 : memref<1x128xi32, #tpu.memory_space<vmem>> -> memref<128xi32, #tpu.memory_space<vmem>>
    %dma_start3A_28 = arith.constant 0 : i32
    %dma_start3A_29 = arith.constant 0 : i32
    %dma_start3A_30 = tpu.memref_slice %arg2[%dma_start3A_28, %dma_start3A_29] : memref<8192x256xf32, #tpu.memory_space<hbm>> -> memref<8192x256xf32, #tpu.memory_space<hbm>>
    tpu.enqueue_indirect_dma source(%dma_start3A_30 : memref<8192x256xf32, #tpu.memory_space<hbm>>) target(%dma_start3A_24 : memref<128x256xf32, #tpu.memory_space<vmem>>) offsets(%dma_start3A_27 : memref<128xi32, #tpu.memory_space<vmem>>) semaphore(%arg7 : memref<!tpu.dma_semaphore, #tpu.memory_space<semaphore_mem>>)
    %dma_wait3A = arith.constant 0 : i32
    %dma_wait3A_31 = arith.constant 0 : i32
    %dma_wait3A_32 = arith.constant 0 : i32
    %dma_wait3A_33 = arith.constant 0 : i32
    %dma_wait3A_34 = tpu.memref_slice %arg6[%dma_wait3A_31, %dma_wait3A_32, %dma_wait3A_33] : memref<2x128x256xf32, #tpu.memory_space<vmem>> -> memref<1x128x256xf32, #tpu.memory_space<vmem>>
    %dma_wait3A_35 = tpu.memref_squeeze %dma_wait3A_34 : memref<1x128x256xf32, #tpu.memory_space<vmem>> -> memref<128x256xf32, #tpu.memory_space<vmem>>
    %dma_wait3A_36 = arith.constant 0 : i32
    %dma_wait3A_37 = tpu.memref_slice %arg5[%dma_wait3A, %dma_wait3A_36] : memref<2x128xi32, #tpu.memory_space<vmem>> -> memref<1x128xi32, #tpu.memory_space<vmem>>
    %dma_wait3A_38 = tpu.memref_squeeze %dma_wait3A_37 : memref<1x128xi32, #tpu.memory_space<vmem>> -> memref<128xi32, #tpu.memory_space<vmem>>
    %dma_wait3A_39 = arith.constant 0 : i32
    %dma_wait3A_40 = arith.constant 0 : i32
    %dma_wait3A_41 = tpu.memref_slice %arg2[%dma_wait3A_39, %dma_wait3A_40] : memref<8192x256xf32, #tpu.memory_space<hbm>> -> memref<8192x256xf32, #tpu.memory_space<hbm>>
    tpu.wait_indirect_dma semaphore(%arg7 : memref<!tpu.dma_semaphore, #tpu.memory_space<semaphore_mem>>) src(%dma_wait3A_41 : memref<8192x256xf32, #tpu.memory_space<hbm>>) dst(%dma_wait3A_35 : memref<128x256xf32, #tpu.memory_space<vmem>>)
    %add3A_42 = arith.constant 0 : i32
    %add3A_43 = arith.addi %mul3A_2, %add3A_42 : i32
    %dma_start3A_44 = arith.constant 0 : i32
    %dma_start3A_45 = arith.constant 0 : i32
    %dma_start3A_46 = arith.constant 0 : i32
    %dma_start3A_47 = tpu.memref_slice %arg6[%dma_start3A_44, %dma_start3A_45, %dma_start3A_46] : memref<2x128x256xf32, #tpu.memory_space<vmem>> -> memref<1x128x256xf32, #tpu.memory_space<vmem>>
    %dma_start3A_48 = tpu.memref_squeeze %dma_start3A_47 : memref<1x128x256xf32, #tpu.memory_space<vmem>> -> memref<128x256xf32, #tpu.memory_space<vmem>>
    %dma_start3A_49 = arith.constant 0 : i32
    %dma_start3A_50 = tpu.memref_slice %arg4[%add3A_43, %dma_start3A_49] : memref<8192x256xf32, #tpu.memory_space<hbm>> -> memref<128x256xf32, #tpu.memory_space<hbm>>
    %dma_start3A_51 = arith.constant 0 : i32
    %dma_start3A_52 = tpu.memref_slice %arg4[%add3A_43, %dma_start3A_51] : memref<8192x256xf32, #tpu.memory_space<hbm>> -> memref<128x256xf32, #tpu.memory_space<hbm>>
    %dma_start3A_53 = arith.constant 0 : i32
    %dma_start3A_54 = arith.constant 0 : i32
    %dma_start3A_55 = tpu.memref_slice %arg6[%dma_start3A_44, %dma_start3A_53, %dma_start3A_54] : memref<2x128x256xf32, #tpu.memory_space<vmem>> -> memref<1x128x256xf32, #tpu.memory_space<vmem>>
    %dma_start3A_56 = tpu.memref_squeeze %dma_start3A_55 : memref<1x128x256xf32, #tpu.memory_space<vmem>> -> memref<128x256xf32, #tpu.memory_space<vmem>>
    tpu.enqueue_dma source(%dma_start3A_56 : memref<128x256xf32, #tpu.memory_space<vmem>>) target(%dma_start3A_52 : memref<128x256xf32, #tpu.memory_space<hbm>>) target_semaphore(%arg8 : memref<!tpu.dma_semaphore, #tpu.memory_space<semaphore_mem>>)
    %dma_wait3A_57 = arith.constant 1 : i32
    %dma_wait3A_58 = arith.constant 1 : i32
    %dma_wait3A_59 = arith.constant 0 : i32
    %dma_wait3A_60 = arith.constant 0 : i32
    %dma_wait3A_61 = tpu.memref_slice %arg6[%dma_wait3A_58, %dma_wait3A_59, %dma_wait3A_60] : memref<2x128x256xf32, #tpu.memory_space<vmem>> -> memref<1x128x256xf32, #tpu.memory_space<vmem>>
    %dma_wait3A_62 = tpu.memref_squeeze %dma_wait3A_61 : memref<1x128x256xf32, #tpu.memory_space<vmem>> -> memref<128x256xf32, #tpu.memory_space<vmem>>
    %dma_wait3A_63 = arith.constant 0 : i32
    %dma_wait3A_64 = tpu.memref_slice %arg5[%dma_wait3A_57, %dma_wait3A_63] : memref<2x128xi32, #tpu.memory_space<vmem>> -> memref<1x128xi32, #tpu.memory_space<vmem>>
    %dma_wait3A_65 = tpu.memref_squeeze %dma_wait3A_64 : memref<1x128xi32, #tpu.memory_space<vmem>> -> memref<128xi32, #tpu.memory_space<vmem>>
    %dma_wait3A_66 = arith.constant 0 : i32
    %dma_wait3A_67 = arith.constant 0 : i32
    %dma_wait3A_68 = tpu.memref_slice %arg2[%dma_wait3A_66, %dma_wait3A_67] : memref<8192x256xf32, #tpu.memory_space<hbm>> -> memref<8192x256xf32, #tpu.memory_space<hbm>>
    tpu.wait_indirect_dma semaphore(%arg7 : memref<!tpu.dma_semaphore, #tpu.memory_space<semaphore_mem>>) src(%dma_wait3A_68 : memref<8192x256xf32, #tpu.memory_space<hbm>>) dst(%dma_wait3A_62 : memref<128x256xf32, #tpu.memory_space<vmem>>)
    %add3A_69 = arith.constant 128 : i32
    %add3A_70 = arith.addi %mul3A_2, %add3A_69 : i32
    %dma_start3A_71 = arith.constant 1 : i32
    %dma_start3A_72 = arith.constant 0 : i32
    %dma_start3A_73 = arith.constant 0 : i32
    %dma_start3A_74 = tpu.memref_slice %arg6[%dma_start3A_71, %dma_start3A_72, %dma_start3A_73] : memref<2x128x256xf32, #tpu.memory_space<vmem>> -> memref<1x128x256xf32, #tpu.memory_space<vmem>>
    %dma_start3A_75 = tpu.memref_squeeze %dma_start3A_74 : memref<1x128x256xf32, #tpu.memory_space<vmem>> -> memref<128x256xf32, #tpu.memory_space<vmem>>
    %dma_start3A_76 = arith.constant 0 : i32
    %dma_start3A_77 = tpu.memref_slice %arg4[%add3A_70, %dma_start3A_76] : memref<8192x256xf32, #tpu.memory_space<hbm>> -> memref<128x256xf32, #tpu.memory_space<hbm>>
    %dma_start3A_78 = arith.constant 0 : i32
    %dma_start3A_79 = tpu.memref_slice %arg4[%add3A_70, %dma_start3A_78] : memref<8192x256xf32, #tpu.memory_space<hbm>> -> memref<128x256xf32, #tpu.memory_space<hbm>>
    %dma_start3A_80 = arith.constant 0 : i32
    %dma_start3A_81 = arith.constant 0 : i32
    %dma_start3A_82 = tpu.memref_slice %arg6[%dma_start3A_71, %dma_start3A_80, %dma_start3A_81] : memref<2x128x256xf32, #tpu.memory_space<vmem>> -> memref<1x128x256xf32, #tpu.memory_space<vmem>>
    %dma_start3A_83 = tpu.memref_squeeze %dma_start3A_82 : memref<1x128x256xf32, #tpu.memory_space<vmem>> -> memref<128x256xf32, #tpu.memory_space<vmem>>
    tpu.enqueue_dma source(%dma_start3A_83 : memref<128x256xf32, #tpu.memory_space<vmem>>) target(%dma_start3A_79 : memref<128x256xf32, #tpu.memory_space<hbm>>) target_semaphore(%arg8 : memref<!tpu.dma_semaphore, #tpu.memory_space<semaphore_mem>>)
    %dma_wait3A_84 = arith.constant 0 : i32
    %dma_wait3A_85 = arith.constant 0 : i32
    %dma_wait3A_86 = arith.constant 0 : i32
    %dma_wait3A_87 = tpu.memref_slice %arg6[%dma_wait3A_84, %dma_wait3A_85, %dma_wait3A_86] : memref<2x128x256xf32, #tpu.memory_space<vmem>> -> memref<1x128x256xf32, #tpu.memory_space<vmem>>
    %dma_wait3A_88 = tpu.memref_squeeze %dma_wait3A_87 : memref<1x128x256xf32, #tpu.memory_space<vmem>> -> memref<128x256xf32, #tpu.memory_space<vmem>>
    %dma_wait3A_89 = arith.constant 0 : i32
    %dma_wait3A_90 = tpu.memref_slice %arg4[%add3A_43, %dma_wait3A_89] : memref<8192x256xf32, #tpu.memory_space<hbm>> -> memref<128x256xf32, #tpu.memory_space<hbm>>
    %dma_wait3A_91 = arith.constant 0 : i32
    %dma_wait3A_92 = tpu.memref_slice %arg4[%add3A_43, %dma_wait3A_91] : memref<8192x256xf32, #tpu.memory_space<hbm>> -> memref<128x256xf32, #tpu.memory_space<hbm>>
    %dma_wait3A_93 = arith.constant 0 : i32
    %dma_wait3A_94 = arith.constant 0 : i32
    %dma_wait3A_95 = tpu.memref_slice %arg6[%dma_wait3A_84, %dma_wait3A_93, %dma_wait3A_94] : memref<2x128x256xf32, #tpu.memory_space<vmem>> -> memref<1x128x256xf32, #tpu.memory_space<vmem>>
    %dma_wait3A_96 = tpu.memref_squeeze %dma_wait3A_95 : memref<1x128x256xf32, #tpu.memory_space<vmem>> -> memref<128x256xf32, #tpu.memory_space<vmem>>
    tpu.wait_dma2 semaphore(%arg8 : memref<!tpu.dma_semaphore, #tpu.memory_space<semaphore_mem>>) src(%dma_wait3A_96 : memref<128x256xf32, #tpu.memory_space<vmem>>) dst(%dma_wait3A_92 : memref<128x256xf32, #tpu.memory_space<hbm>>)
    %dma_wait3A_97 = arith.constant 1 : i32
    %dma_wait3A_98 = arith.constant 0 : i32
    %dma_wait3A_99 = arith.constant 0 : i32
    %dma_wait3A_100 = tpu.memref_slice %arg6[%dma_wait3A_97, %dma_wait3A_98, %dma_wait3A_99] : memref<2x128x256xf32, #tpu.memory_space<vmem>> -> memref<1x128x256xf32, #tpu.memory_space<vmem>>
    %dma_wait3A_101 = tpu.memref_squeeze %dma_wait3A_100 : memref<1x128x256xf32, #tpu.memory_space<vmem>> -> memref<128x256xf32, #tpu.memory_space<vmem>>
    %dma_wait3A_102 = arith.constant 0 : i32
    %dma_wait3A_103 = tpu.memref_slice %arg4[%add3A_70, %dma_wait3A_102] : memref<8192x256xf32, #tpu.memory_space<hbm>> -> memref<128x256xf32, #tpu.memory_space<hbm>>
    %dma_wait3A_104 = arith.constant 0 : i32
    %dma_wait3A_105 = tpu.memref_slice %arg4[%add3A_70, %dma_wait3A_104] : memref<8192x256xf32, #tpu.memory_space<hbm>> -> memref<128x256xf32, #tpu.memory_space<hbm>>
    %dma_wait3A_106 = arith.constant 0 : i32
    %dma_wait3A_107 = arith.constant 0 : i32
    %dma_wait3A_108 = tpu.memref_slice %arg6[%dma_wait3A_97, %dma_wait3A_106, %dma_wait3A_107] : memref<2x128x256xf32, #tpu.memory_space<vmem>> -> memref<1x128x256xf32, #tpu.memory_space<vmem>>
    %dma_wait3A_109 = tpu.memref_squeeze %dma_wait3A_108 : memref<1x128x256xf32, #tpu.memory_space<vmem>> -> memref<128x256xf32, #tpu.memory_space<vmem>>
    tpu.wait_dma2 semaphore(%arg8 : memref<!tpu.dma_semaphore, #tpu.memory_space<semaphore_mem>>) src(%dma_wait3A_109 : memref<128x256xf32, #tpu.memory_space<vmem>>) dst(%dma_wait3A_105 : memref<128x256xf32, #tpu.memory_space<hbm>>)
    return
  }
}

module attributes {stable_mosaic.version = 14 : i64} {
  func.func @_argmin_body(%arg0: i32, %arg1: memref<512x256xf32, #tpu.memory_space<vmem>>, %arg2: memref<8192x256xf32, #tpu.memory_space<vmem>>, %arg3: memref<512x1xi32, #tpu.memory_space<vmem>>, %arg4: memref<1x8192xf32, #tpu.memory_space<vmem>>) attributes {dimension_semantics = [#tpu.dimension_semantics<arbitrary>], iteration_bounds = array<i64: 16>, scalar_prefetch = 0 : i64, scratch_operands = 1 : i64, tpu.core_type = #tpu.core_type<tc>, window_params = [{transform_indices = @transform_0, window_bounds = array<i64: 512, 256>}, {pipeline_mode = #tpu.pipeline_mode<synchronous>, transform_indices = @transform_1, window_bounds = array<i64: 8192, 256>}, {transform_indices = @transform_2, window_bounds = array<i64: 512, 1>}]} {
    %eq3A = arith.constant 0 : i32
    %eq3A_0 = arith.cmpi eq, %arg0, %eq3A : i32
    %convert_element_type3A = arith.extui %eq3A_0 : i1 to i32
    %cond3A = arith.constant 0 : i32
    %cond3A_1 = arith.cmpi ne, %convert_element_type3A, %cond3A : i32
    scf.if %cond3A_1 {
      %get3A_389 = arith.constant 0 : index
      %get3A_390 = arith.constant 0 : index
      %get3A_391 = vector.load %arg2[%get3A_389, %get3A_390] : memref<8192x256xf32, #tpu.memory_space<vmem>>, vector<512x256xf32>
      %mul3A_392 = arith.mulf %get3A_391, %get3A_391 : vector<512x256xf32>
      %reduce_sum3A_393 = arith.constant dense<0.000000e+00> : vector<512xf32>
      %reduce_sum3A_394 = vector.multi_reduction <add>, %mul3A_392, %reduce_sum3A_393 [1] : vector<512x256xf32> to vector<512xf32>
      %broadcast_in_dim3A_395 = vector.shape_cast %reduce_sum3A_394 : vector<512xf32> to vector<1x512xf32>
      %swap3A_396 = arith.constant 0 : index
      %swap3A_397 = arith.constant 0 : index
      %swap3A_398 = vector.load %arg4[%swap3A_396, %swap3A_397] : memref<1x8192xf32, #tpu.memory_space<vmem>>, vector<1x512xf32>
      tpu.vector_store %arg4[%swap3A_396, %swap3A_397], %broadcast_in_dim3A_395 {strides = array<i32>} : memref<1x8192xf32, #tpu.memory_space<vmem>>, vector<1x512xf32>,
      %get3A_399 = arith.constant 512 : index
      %get3A_400 = arith.constant 0 : index
      %get3A_401 = vector.load %arg2[%get3A_399, %get3A_400] : memref<8192x256xf32, #tpu.memory_space<vmem>>, vector<512x256xf32>
      %mul3A_402 = arith.mulf %get3A_401, %get3A_401 : vector<512x256xf32>
      %reduce_sum3A_403 = arith.constant dense<0.000000e+00> : vector<512xf32>
      %reduce_sum3A_404 = vector.multi_reduction <add>, %mul3A_402, %reduce_sum3A_403 [1] : vector<512x256xf32> to vector<512xf32>
      %broadcast_in_dim3A_405 = vector.shape_cast %reduce_sum3A_404 : vector<512xf32> to vector<1x512xf32>
      %swap3A_406 = arith.constant 0 : index
      %swap3A_407 = arith.constant 512 : index
      %swap3A_408 = vector.load %arg4[%swap3A_406, %swap3A_407] : memref<1x8192xf32, #tpu.memory_space<vmem>>, vector<1x512xf32>
      tpu.vector_store %arg4[%swap3A_406, %swap3A_407], %broadcast_in_dim3A_405 {strides = array<i32>} : memref<1x8192xf32, #tpu.memory_space<vmem>>, vector<1x512xf32>,
      %get3A_409 = arith.constant 1024 : index
      %get3A_410 = arith.constant 0 : index
      %get3A_411 = vector.load %arg2[%get3A_409, %get3A_410] : memref<8192x256xf32, #tpu.memory_space<vmem>>, vector<512x256xf32>
      %mul3A_412 = arith.mulf %get3A_411, %get3A_411 : vector<512x256xf32>
      %reduce_sum3A_413 = arith.constant dense<0.000000e+00> : vector<512xf32>
      %reduce_sum3A_414 = vector.multi_reduction <add>, %mul3A_412, %reduce_sum3A_413 [1] : vector<512x256xf32> to vector<512xf32>
      %broadcast_in_dim3A_415 = vector.shape_cast %reduce_sum3A_414 : vector<512xf32> to vector<1x512xf32>
      %swap3A_416 = arith.constant 0 : index
      %swap3A_417 = arith.constant 1024 : index
      %swap3A_418 = vector.load %arg4[%swap3A_416, %swap3A_417] : memref<1x8192xf32, #tpu.memory_space<vmem>>, vector<1x512xf32>
      tpu.vector_store %arg4[%swap3A_416, %swap3A_417], %broadcast_in_dim3A_415 {strides = array<i32>} : memref<1x8192xf32, #tpu.memory_space<vmem>>, vector<1x512xf32>,
      %get3A_419 = arith.constant 1536 : index
      %get3A_420 = arith.constant 0 : index
      %get3A_421 = vector.load %arg2[%get3A_419, %get3A_420] : memref<8192x256xf32, #tpu.memory_space<vmem>>, vector<512x256xf32>
      %mul3A_422 = arith.mulf %get3A_421, %get3A_421 : vector<512x256xf32>
      %reduce_sum3A_423 = arith.constant dense<0.000000e+00> : vector<512xf32>
      %reduce_sum3A_424 = vector.multi_reduction <add>, %mul3A_422, %reduce_sum3A_423 [1] : vector<512x256xf32> to vector<512xf32>
      %broadcast_in_dim3A_425 = vector.shape_cast %reduce_sum3A_424 : vector<512xf32> to vector<1x512xf32>
      %swap3A_426 = arith.constant 0 : index
      %swap3A_427 = arith.constant 1536 : index
      %swap3A_428 = vector.load %arg4[%swap3A_426, %swap3A_427] : memref<1x8192xf32, #tpu.memory_space<vmem>>, vector<1x512xf32>
      tpu.vector_store %arg4[%swap3A_426, %swap3A_427], %broadcast_in_dim3A_425 {strides = array<i32>} : memref<1x8192xf32, #tpu.memory_space<vmem>>, vector<1x512xf32>,
      %get3A_429 = arith.constant 2048 : index
      %get3A_430 = arith.constant 0 : index
      %get3A_431 = vector.load %arg2[%get3A_429, %get3A_430] : memref<8192x256xf32, #tpu.memory_space<vmem>>, vector<512x256xf32>
      %mul3A_432 = arith.mulf %get3A_431, %get3A_431 : vector<512x256xf32>
      %reduce_sum3A_433 = arith.constant dense<0.000000e+00> : vector<512xf32>
      %reduce_sum3A_434 = vector.multi_reduction <add>, %mul3A_432, %reduce_sum3A_433 [1] : vector<512x256xf32> to vector<512xf32>
      %broadcast_in_dim3A_435 = vector.shape_cast %reduce_sum3A_434 : vector<512xf32> to vector<1x512xf32>
      %swap3A_436 = arith.constant 0 : index
      %swap3A_437 = arith.constant 2048 : index
      %swap3A_438 = vector.load %arg4[%swap3A_436, %swap3A_437] : memref<1x8192xf32, #tpu.memory_space<vmem>>, vector<1x512xf32>
      tpu.vector_store %arg4[%swap3A_436, %swap3A_437], %broadcast_in_dim3A_435 {strides = array<i32>} : memref<1x8192xf32, #tpu.memory_space<vmem>>, vector<1x512xf32>,
      %get3A_439 = arith.constant 2560 : index
      %get3A_440 = arith.constant 0 : index
      %get3A_441 = vector.load %arg2[%get3A_439, %get3A_440] : memref<8192x256xf32, #tpu.memory_space<vmem>>, vector<512x256xf32>
      %mul3A_442 = arith.mulf %get3A_441, %get3A_441 : vector<512x256xf32>
      %reduce_sum3A_443 = arith.constant dense<0.000000e+00> : vector<512xf32>
      %reduce_sum3A_444 = vector.multi_reduction <add>, %mul3A_442, %reduce_sum3A_443 [1] : vector<512x256xf32> to vector<512xf32>
      %broadcast_in_dim3A_445 = vector.shape_cast %reduce_sum3A_444 : vector<512xf32> to vector<1x512xf32>
      %swap3A_446 = arith.constant 0 : index
      %swap3A_447 = arith.constant 2560 : index
      %swap3A_448 = vector.load %arg4[%swap3A_446, %swap3A_447] : memref<1x8192xf32, #tpu.memory_space<vmem>>, vector<1x512xf32>
      tpu.vector_store %arg4[%swap3A_446, %swap3A_447], %broadcast_in_dim3A_445 {strides = array<i32>} : memref<1x8192xf32, #tpu.memory_space<vmem>>, vector<1x512xf32>,
      %get3A_449 = arith.constant 3072 : index
      %get3A_450 = arith.constant 0 : index
      %get3A_451 = vector.load %arg2[%get3A_449, %get3A_450] : memref<8192x256xf32, #tpu.memory_space<vmem>>, vector<512x256xf32>
      %mul3A_452 = arith.mulf %get3A_451, %get3A_451 : vector<512x256xf32>
      %reduce_sum3A_453 = arith.constant dense<0.000000e+00> : vector<512xf32>
      %reduce_sum3A_454 = vector.multi_reduction <add>, %mul3A_452, %reduce_sum3A_453 [1] : vector<512x256xf32> to vector<512xf32>
      %broadcast_in_dim3A_455 = vector.shape_cast %reduce_sum3A_454 : vector<512xf32> to vector<1x512xf32>
      %swap3A_456 = arith.constant 0 : index
      %swap3A_457 = arith.constant 3072 : index
      %swap3A_458 = vector.load %arg4[%swap3A_456, %swap3A_457] : memref<1x8192xf32, #tpu.memory_space<vmem>>, vector<1x512xf32>
      tpu.vector_store %arg4[%swap3A_456, %swap3A_457], %broadcast_in_dim3A_455 {strides = array<i32>} : memref<1x8192xf32, #tpu.memory_space<vmem>>, vector<1x512xf32>,
      %get3A_459 = arith.constant 3584 : index
      %get3A_460 = arith.constant 0 : index
      %get3A_461 = vector.load %arg2[%get3A_459, %get3A_460] : memref<8192x256xf32, #tpu.memory_space<vmem>>, vector<512x256xf32>
      %mul3A_462 = arith.mulf %get3A_461, %get3A_461 : vector<512x256xf32>
      %reduce_sum3A_463 = arith.constant dense<0.000000e+00> : vector<512xf32>
      %reduce_sum3A_464 = vector.multi_reduction <add>, %mul3A_462, %reduce_sum3A_463 [1] : vector<512x256xf32> to vector<512xf32>
      %broadcast_in_dim3A_465 = vector.shape_cast %reduce_sum3A_464 : vector<512xf32> to vector<1x512xf32>
      %swap3A_466 = arith.constant 0 : index
      %swap3A_467 = arith.constant 3584 : index
      %swap3A_468 = vector.load %arg4[%swap3A_466, %swap3A_467] : memref<1x8192xf32, #tpu.memory_space<vmem>>, vector<1x512xf32>
      tpu.vector_store %arg4[%swap3A_466, %swap3A_467], %broadcast_in_dim3A_465 {strides = array<i32>} : memref<1x8192xf32, #tpu.memory_space<vmem>>, vector<1x512xf32>,
      %get3A_469 = arith.constant 4096 : index
      %get3A_470 = arith.constant 0 : index
      %get3A_471 = vector.load %arg2[%get3A_469, %get3A_470] : memref<8192x256xf32, #tpu.memory_space<vmem>>, vector<512x256xf32>
      %mul3A_472 = arith.mulf %get3A_471, %get3A_471 : vector<512x256xf32>
      %reduce_sum3A_473 = arith.constant dense<0.000000e+00> : vector<512xf32>
      %reduce_sum3A_474 = vector.multi_reduction <add>, %mul3A_472, %reduce_sum3A_473 [1] : vector<512x256xf32> to vector<512xf32>
      %broadcast_in_dim3A_475 = vector.shape_cast %reduce_sum3A_474 : vector<512xf32> to vector<1x512xf32>
      %swap3A_476 = arith.constant 0 : index
      %swap3A_477 = arith.constant 4096 : index
      %swap3A_478 = vector.load %arg4[%swap3A_476, %swap3A_477] : memref<1x8192xf32, #tpu.memory_space<vmem>>, vector<1x512xf32>
      tpu.vector_store %arg4[%swap3A_476, %swap3A_477], %broadcast_in_dim3A_475 {strides = array<i32>} : memref<1x8192xf32, #tpu.memory_space<vmem>>, vector<1x512xf32>,
      %get3A_479 = arith.constant 4608 : index
      %get3A_480 = arith.constant 0 : index
      %get3A_481 = vector.load %arg2[%get3A_479, %get3A_480] : memref<8192x256xf32, #tpu.memory_space<vmem>>, vector<512x256xf32>
      %mul3A_482 = arith.mulf %get3A_481, %get3A_481 : vector<512x256xf32>
      %reduce_sum3A_483 = arith.constant dense<0.000000e+00> : vector<512xf32>
      %reduce_sum3A_484 = vector.multi_reduction <add>, %mul3A_482, %reduce_sum3A_483 [1] : vector<512x256xf32> to vector<512xf32>
      %broadcast_in_dim3A_485 = vector.shape_cast %reduce_sum3A_484 : vector<512xf32> to vector<1x512xf32>
      %swap3A_486 = arith.constant 0 : index
      %swap3A_487 = arith.constant 4608 : index
      %swap3A_488 = vector.load %arg4[%swap3A_486, %swap3A_487] : memref<1x8192xf32, #tpu.memory_space<vmem>>, vector<1x512xf32>
      tpu.vector_store %arg4[%swap3A_486, %swap3A_487], %broadcast_in_dim3A_485 {strides = array<i32>} : memref<1x8192xf32, #tpu.memory_space<vmem>>, vector<1x512xf32>,
      %get3A_489 = arith.constant 5120 : index
      %get3A_490 = arith.constant 0 : index
      %get3A_491 = vector.load %arg2[%get3A_489, %get3A_490] : memref<8192x256xf32, #tpu.memory_space<vmem>>, vector<512x256xf32>
      %mul3A_492 = arith.mulf %get3A_491, %get3A_491 : vector<512x256xf32>
      %reduce_sum3A_493 = arith.constant dense<0.000000e+00> : vector<512xf32>
      %reduce_sum3A_494 = vector.multi_reduction <add>, %mul3A_492, %reduce_sum3A_493 [1] : vector<512x256xf32> to vector<512xf32>
      %broadcast_in_dim3A_495 = vector.shape_cast %reduce_sum3A_494 : vector<512xf32> to vector<1x512xf32>
      %swap3A_496 = arith.constant 0 : index
      %swap3A_497 = arith.constant 5120 : index
      %swap3A_498 = vector.load %arg4[%swap3A_496, %swap3A_497] : memref<1x8192xf32, #tpu.memory_space<vmem>>, vector<1x512xf32>
      tpu.vector_store %arg4[%swap3A_496, %swap3A_497], %broadcast_in_dim3A_495 {strides = array<i32>} : memref<1x8192xf32, #tpu.memory_space<vmem>>, vector<1x512xf32>,
      %get3A_499 = arith.constant 5632 : index
      %get3A_500 = arith.constant 0 : index
      %get3A_501 = vector.load %arg2[%get3A_499, %get3A_500] : memref<8192x256xf32, #tpu.memory_space<vmem>>, vector<512x256xf32>
      %mul3A_502 = arith.mulf %get3A_501, %get3A_501 : vector<512x256xf32>
      %reduce_sum3A_503 = arith.constant dense<0.000000e+00> : vector<512xf32>
      %reduce_sum3A_504 = vector.multi_reduction <add>, %mul3A_502, %reduce_sum3A_503 [1] : vector<512x256xf32> to vector<512xf32>
      %broadcast_in_dim3A_505 = vector.shape_cast %reduce_sum3A_504 : vector<512xf32> to vector<1x512xf32>
      %swap3A_506 = arith.constant 0 : index
      %swap3A_507 = arith.constant 5632 : index
      %swap3A_508 = vector.load %arg4[%swap3A_506, %swap3A_507] : memref<1x8192xf32, #tpu.memory_space<vmem>>, vector<1x512xf32>
      tpu.vector_store %arg4[%swap3A_506, %swap3A_507], %broadcast_in_dim3A_505 {strides = array<i32>} : memref<1x8192xf32, #tpu.memory_space<vmem>>, vector<1x512xf32>,
      %get3A_509 = arith.constant 6144 : index
      %get3A_510 = arith.constant 0 : index
      %get3A_511 = vector.load %arg2[%get3A_509, %get3A_510] : memref<8192x256xf32, #tpu.memory_space<vmem>>, vector<512x256xf32>
      %mul3A_512 = arith.mulf %get3A_511, %get3A_511 : vector<512x256xf32>
      %reduce_sum3A_513 = arith.constant dense<0.000000e+00> : vector<512xf32>
      %reduce_sum3A_514 = vector.multi_reduction <add>, %mul3A_512, %reduce_sum3A_513 [1] : vector<512x256xf32> to vector<512xf32>
      %broadcast_in_dim3A_515 = vector.shape_cast %reduce_sum3A_514 : vector<512xf32> to vector<1x512xf32>
      %swap3A_516 = arith.constant 0 : index
      %swap3A_517 = arith.constant 6144 : index
      %swap3A_518 = vector.load %arg4[%swap3A_516, %swap3A_517] : memref<1x8192xf32, #tpu.memory_space<vmem>>, vector<1x512xf32>
      tpu.vector_store %arg4[%swap3A_516, %swap3A_517], %broadcast_in_dim3A_515 {strides = array<i32>} : memref<1x8192xf32, #tpu.memory_space<vmem>>, vector<1x512xf32>,
      %get3A_519 = arith.constant 6656 : index
      %get3A_520 = arith.constant 0 : index
      %get3A_521 = vector.load %arg2[%get3A_519, %get3A_520] : memref<8192x256xf32, #tpu.memory_space<vmem>>, vector<512x256xf32>
      %mul3A_522 = arith.mulf %get3A_521, %get3A_521 : vector<512x256xf32>
      %reduce_sum3A_523 = arith.constant dense<0.000000e+00> : vector<512xf32>
      %reduce_sum3A_524 = vector.multi_reduction <add>, %mul3A_522, %reduce_sum3A_523 [1] : vector<512x256xf32> to vector<512xf32>
      %broadcast_in_dim3A_525 = vector.shape_cast %reduce_sum3A_524 : vector<512xf32> to vector<1x512xf32>
      %swap3A_526 = arith.constant 0 : index
      %swap3A_527 = arith.constant 6656 : index
      %swap3A_528 = vector.load %arg4[%swap3A_526, %swap3A_527] : memref<1x8192xf32, #tpu.memory_space<vmem>>, vector<1x512xf32>
      tpu.vector_store %arg4[%swap3A_526, %swap3A_527], %broadcast_in_dim3A_525 {strides = array<i32>} : memref<1x8192xf32, #tpu.memory_space<vmem>>, vector<1x512xf32>,
      %get3A_529 = arith.constant 7168 : index
      %get3A_530 = arith.constant 0 : index
      %get3A_531 = vector.load %arg2[%get3A_529, %get3A_530] : memref<8192x256xf32, #tpu.memory_space<vmem>>, vector<512x256xf32>
      %mul3A_532 = arith.mulf %get3A_531, %get3A_531 : vector<512x256xf32>
      %reduce_sum3A_533 = arith.constant dense<0.000000e+00> : vector<512xf32>
      %reduce_sum3A_534 = vector.multi_reduction <add>, %mul3A_532, %reduce_sum3A_533 [1] : vector<512x256xf32> to vector<512xf32>
      %broadcast_in_dim3A_535 = vector.shape_cast %reduce_sum3A_534 : vector<512xf32> to vector<1x512xf32>
      %swap3A_536 = arith.constant 0 : index
      %swap3A_537 = arith.constant 7168 : index
      %swap3A_538 = vector.load %arg4[%swap3A_536, %swap3A_537] : memref<1x8192xf32, #tpu.memory_space<vmem>>, vector<1x512xf32>
      tpu.vector_store %arg4[%swap3A_536, %swap3A_537], %broadcast_in_dim3A_535 {strides = array<i32>} : memref<1x8192xf32, #tpu.memory_space<vmem>>, vector<1x512xf32>,
      %get3A_539 = arith.constant 7680 : index
      %get3A_540 = arith.constant 0 : index
      %get3A_541 = vector.load %arg2[%get3A_539, %get3A_540] : memref<8192x256xf32, #tpu.memory_space<vmem>>, vector<512x256xf32>
      %mul3A_542 = arith.mulf %get3A_541, %get3A_541 : vector<512x256xf32>
      %reduce_sum3A_543 = arith.constant dense<0.000000e+00> : vector<512xf32>
      %reduce_sum3A_544 = vector.multi_reduction <add>, %mul3A_542, %reduce_sum3A_543 [1] : vector<512x256xf32> to vector<512xf32>
      %broadcast_in_dim3A_545 = vector.shape_cast %reduce_sum3A_544 : vector<512xf32> to vector<1x512xf32>
      %swap3A_546 = arith.constant 0 : index
      %swap3A_547 = arith.constant 7680 : index
      %swap3A_548 = vector.load %arg4[%swap3A_546, %swap3A_547] : memref<1x8192xf32, #tpu.memory_space<vmem>>, vector<1x512xf32>
      tpu.vector_store %arg4[%swap3A_546, %swap3A_547], %broadcast_in_dim3A_545 {strides = array<i32>} : memref<1x8192xf32, #tpu.memory_space<vmem>>, vector<1x512xf32>,
    } else {
    }
    %get3A = arith.constant 0 : index
    %get3A_2 = arith.constant 0 : index
    %get3A_3 = vector.load %arg1[%get3A, %get3A_2] : memref<512x256xf32, #tpu.memory_space<vmem>>, vector<512x256xf32>
    %mul3A = arith.mulf %get3A_3, %get3A_3 : vector<512x256xf32>
    %reduce_sum3A = arith.constant dense<0.000000e+00> : vector<512xf32>
    %reduce_sum3A_4 = vector.multi_reduction <add>, %mul3A, %reduce_sum3A [1] : vector<512x256xf32> to vector<512xf32>
    %broadcast_in_dim3A = vector.shape_cast %reduce_sum3A_4 : vector<512xf32> to vector<512x1xf32>
    %mul3A_5 = arith.constant -2.000000e+00 : f32
    %mul3A_6 = vector.broadcast %mul3A_5 : f32 to vector<512x256xf32>
    %mul3A_7 = arith.mulf %mul3A_6, %get3A_3 : vector<512x256xf32>
    %broadcast_in_dim3A_8 = arith.constant 0x7F800000 : f32
    %broadcast_in_dim3A_9 = vector.broadcast %broadcast_in_dim3A_8 : f32 to vector<512x1xf32>
    %broadcast_in_dim3A_10 = arith.constant 0 : i32
    %broadcast_in_dim3A_11 = vector.broadcast %broadcast_in_dim3A_10 : i32 to vector<512x1xi32>
    %broadcast_in_dim3A_12 = arith.constant 0.000000e+00 : f32
    %broadcast_in_dim3A_13 = vector.broadcast %broadcast_in_dim3A_12 : f32 to vector<512x512xf32>
    %get3A_14 = arith.constant 0 : index
    %get3A_15 = arith.constant 0 : index
    %get3A_16 = vector.load %arg2[%get3A_14, %get3A_15] : memref<8192x256xf32, #tpu.memory_space<vmem>>, vector<512x256xf32>
    %get3A_17 = arith.constant 0 : index
    %get3A_18 = arith.constant 0 : index
    %get3A_19 = vector.load %arg4[%get3A_17, %get3A_18] : memref<1x8192xf32, #tpu.memory_space<vmem>>, vector<1x512xf32>
    %dot_general3A = arith.constant dense<0.000000e+00> : vector<512x512xf32>
    %dot_general3A_20 = tpu.matmul %mul3A_7, %get3A_16, %dot_general3A {dimension_numbers = #tpu.dot_dimension_numbers<[1], [1], [0], [0], [0, 0, 1, 0], [], []>, transpose_lhs_hint = false} : vector<512x256xf32>, vector<512x256xf32>, vector<512x512xf32> -> vector<512x512xf32>
    %add3A = vector.broadcast %broadcast_in_dim3A : vector<512x1xf32> to vector<512x512xf32>
    %add3A_21 = vector.broadcast %get3A_19 : vector<1x512xf32> to vector<512x512xf32>
    %add3A_22 = arith.addf %add3A, %add3A_21 : vector<512x512xf32>
    %add3A_23 = arith.addf %add3A_22, %dot_general3A_20 : vector<512x512xf32>
    %reduce_min3A = arith.constant dense<0x7F800000> : vector<512xf32>
    %reduce_min3A_24 = vector.multi_reduction <minimumf>, %add3A_23, %reduce_min3A [1] : vector<512x512xf32> to vector<512xf32>
    %broadcast_in_dim3A_25 = vector.shape_cast %reduce_min3A_24 : vector<512xf32> to vector<512x1xf32>
    %lt3A = arith.cmpf olt, %broadcast_in_dim3A_25, %broadcast_in_dim3A_9 : vector<512x1xf32>
    %select_n3A = arith.select %lt3A, %broadcast_in_dim3A_25, %broadcast_in_dim3A_9 : vector<512x1xi1>, vector<512x1xf32>
    %jit3A = arith.constant 0 : i32
    %broadcast_in_dim3A_26 = vector.broadcast %jit3A : i32 to vector<512x1xi32>
    %select_n3A_27 = arith.select %lt3A, %broadcast_in_dim3A_26, %broadcast_in_dim3A_11 : vector<512x1xi1>, vector<512x1xi32>
    %broadcast_in_dim3A_28 = vector.shape_cast %lt3A : vector<512x1xi1> to vector<512x1xi1>
    %broadcast_in_dim3A_29 = vector.broadcast %broadcast_in_dim3A_28 : vector<512x1xi1> to vector<512x512xi1>
    %select_n3A_30 = arith.select %broadcast_in_dim3A_29, %add3A_23, %broadcast_in_dim3A_13 : vector<512x512xi1>, vector<512x512xf32>
    %get3A_31 = arith.constant 512 : index
    %get3A_32 = arith.constant 0 : index
    %get3A_33 = vector.load %arg2[%get3A_31, %get3A_32] : memref<8192x256xf32, #tpu.memory_space<vmem>>, vector<512x256xf32>
    %get3A_34 = arith.constant 0 : index
    %get3A_35 = arith.constant 512 : index
    %get3A_36 = vector.load %arg4[%get3A_34, %get3A_35] : memref<1x8192xf32, #tpu.memory_space<vmem>>, vector<1x512xf32>
    %dot_general3A_37 = arith.constant dense<0.000000e+00> : vector<512x512xf32>
    %dot_general3A_38 = tpu.matmul %mul3A_7, %get3A_33, %dot_general3A_37 {dimension_numbers = #tpu.dot_dimension_numbers<[1], [1], [0], [0], [0, 0, 1, 0], [], []>, transpose_lhs_hint = false} : vector<512x256xf32>, vector<512x256xf32>, vector<512x512xf32> -> vector<512x512xf32>
    %add3A_39 = vector.broadcast %broadcast_in_dim3A : vector<512x1xf32> to vector<512x512xf32>
    %add3A_40 = vector.broadcast %get3A_36 : vector<1x512xf32> to vector<512x512xf32>
    %add3A_41 = arith.addf %add3A_39, %add3A_40 : vector<512x512xf32>
    %add3A_42 = arith.addf %add3A_41, %dot_general3A_38 : vector<512x512xf32>
    %reduce_min3A_43 = arith.constant dense<0x7F800000> : vector<512xf32>
    %reduce_min3A_44 = vector.multi_reduction <minimumf>, %add3A_42, %reduce_min3A_43 [1] : vector<512x512xf32> to vector<512xf32>
    %broadcast_in_dim3A_45 = vector.shape_cast %reduce_min3A_44 : vector<512xf32> to vector<512x1xf32>
    %lt3A_46 = arith.cmpf olt, %broadcast_in_dim3A_45, %select_n3A : vector<512x1xf32>
    %select_n3A_47 = arith.select %lt3A_46, %broadcast_in_dim3A_45, %select_n3A : vector<512x1xi1>, vector<512x1xf32>
    %jit3A_48 = arith.constant 512 : i32
    %broadcast_in_dim3A_49 = vector.broadcast %jit3A_48 : i32 to vector<512x1xi32>
    %select_n3A_50 = arith.select %lt3A_46, %broadcast_in_dim3A_49, %select_n3A_27 : vector<512x1xi1>, vector<512x1xi32>
    %broadcast_in_dim3A_51 = vector.shape_cast %lt3A_46 : vector<512x1xi1> to vector<512x1xi1>
    %broadcast_in_dim3A_52 = vector.broadcast %broadcast_in_dim3A_51 : vector<512x1xi1> to vector<512x512xi1>
    %select_n3A_53 = arith.select %broadcast_in_dim3A_52, %add3A_42, %select_n3A_30 : vector<512x512xi1>, vector<512x512xf32>
    %get3A_54 = arith.constant 1024 : index
    %get3A_55 = arith.constant 0 : index
    %get3A_56 = vector.load %arg2[%get3A_54, %get3A_55] : memref<8192x256xf32, #tpu.memory_space<vmem>>, vector<512x256xf32>
    %get3A_57 = arith.constant 0 : index
    %get3A_58 = arith.constant 1024 : index
    %get3A_59 = vector.load %arg4[%get3A_57, %get3A_58] : memref<1x8192xf32, #tpu.memory_space<vmem>>, vector<1x512xf32>
    %dot_general3A_60 = arith.constant dense<0.000000e+00> : vector<512x512xf32>
    %dot_general3A_61 = tpu.matmul %mul3A_7, %get3A_56, %dot_general3A_60 {dimension_numbers = #tpu.dot_dimension_numbers<[1], [1], [0], [0], [0, 0, 1, 0], [], []>, transpose_lhs_hint = false} : vector<512x256xf32>, vector<512x256xf32>, vector<512x512xf32> -> vector<512x512xf32>
    %add3A_62 = vector.broadcast %broadcast_in_dim3A : vector<512x1xf32> to vector<512x512xf32>
    %add3A_63 = vector.broadcast %get3A_59 : vector<1x512xf32> to vector<512x512xf32>
    %add3A_64 = arith.addf %add3A_62, %add3A_63 : vector<512x512xf32>
    %add3A_65 = arith.addf %add3A_64, %dot_general3A_61 : vector<512x512xf32>
    %reduce_min3A_66 = arith.constant dense<0x7F800000> : vector<512xf32>
    %reduce_min3A_67 = vector.multi_reduction <minimumf>, %add3A_65, %reduce_min3A_66 [1] : vector<512x512xf32> to vector<512xf32>
    %broadcast_in_dim3A_68 = vector.shape_cast %reduce_min3A_67 : vector<512xf32> to vector<512x1xf32>
    %lt3A_69 = arith.cmpf olt, %broadcast_in_dim3A_68, %select_n3A_47 : vector<512x1xf32>
    %select_n3A_70 = arith.select %lt3A_69, %broadcast_in_dim3A_68, %select_n3A_47 : vector<512x1xi1>, vector<512x1xf32>
    %jit3A_71 = arith.constant 1024 : i32
    %broadcast_in_dim3A_72 = vector.broadcast %jit3A_71 : i32 to vector<512x1xi32>
    %select_n3A_73 = arith.select %lt3A_69, %broadcast_in_dim3A_72, %select_n3A_50 : vector<512x1xi1>, vector<512x1xi32>
    %broadcast_in_dim3A_74 = vector.shape_cast %lt3A_69 : vector<512x1xi1> to vector<512x1xi1>
    %broadcast_in_dim3A_75 = vector.broadcast %broadcast_in_dim3A_74 : vector<512x1xi1> to vector<512x512xi1>
    %select_n3A_76 = arith.select %broadcast_in_dim3A_75, %add3A_65, %select_n3A_53 : vector<512x512xi1>, vector<512x512xf32>
    %get3A_77 = arith.constant 1536 : index
    %get3A_78 = arith.constant 0 : index
    %get3A_79 = vector.load %arg2[%get3A_77, %get3A_78] : memref<8192x256xf32, #tpu.memory_space<vmem>>, vector<512x256xf32>
    %get3A_80 = arith.constant 0 : index
    %get3A_81 = arith.constant 1536 : index
    %get3A_82 = vector.load %arg4[%get3A_80, %get3A_81] : memref<1x8192xf32, #tpu.memory_space<vmem>>, vector<1x512xf32>
    %dot_general3A_83 = arith.constant dense<0.000000e+00> : vector<512x512xf32>
    %dot_general3A_84 = tpu.matmul %mul3A_7, %get3A_79, %dot_general3A_83 {dimension_numbers = #tpu.dot_dimension_numbers<[1], [1], [0], [0], [0, 0, 1, 0], [], []>, transpose_lhs_hint = false} : vector<512x256xf32>, vector<512x256xf32>, vector<512x512xf32> -> vector<512x512xf32>
    %add3A_85 = vector.broadcast %broadcast_in_dim3A : vector<512x1xf32> to vector<512x512xf32>
    %add3A_86 = vector.broadcast %get3A_82 : vector<1x512xf32> to vector<512x512xf32>
    %add3A_87 = arith.addf %add3A_85, %add3A_86 : vector<512x512xf32>
    %add3A_88 = arith.addf %add3A_87, %dot_general3A_84 : vector<512x512xf32>
    %reduce_min3A_89 = arith.constant dense<0x7F800000> : vector<512xf32>
    %reduce_min3A_90 = vector.multi_reduction <minimumf>, %add3A_88, %reduce_min3A_89 [1] : vector<512x512xf32> to vector<512xf32>
    %broadcast_in_dim3A_91 = vector.shape_cast %reduce_min3A_90 : vector<512xf32> to vector<512x1xf32>
    %lt3A_92 = arith.cmpf olt, %broadcast_in_dim3A_91, %select_n3A_70 : vector<512x1xf32>
    %select_n3A_93 = arith.select %lt3A_92, %broadcast_in_dim3A_91, %select_n3A_70 : vector<512x1xi1>, vector<512x1xf32>
    %jit3A_94 = arith.constant 1536 : i32
    %broadcast_in_dim3A_95 = vector.broadcast %jit3A_94 : i32 to vector<512x1xi32>
    %select_n3A_96 = arith.select %lt3A_92, %broadcast_in_dim3A_95, %select_n3A_73 : vector<512x1xi1>, vector<512x1xi32>
    %broadcast_in_dim3A_97 = vector.shape_cast %lt3A_92 : vector<512x1xi1> to vector<512x1xi1>
    %broadcast_in_dim3A_98 = vector.broadcast %broadcast_in_dim3A_97 : vector<512x1xi1> to vector<512x512xi1>
    %select_n3A_99 = arith.select %broadcast_in_dim3A_98, %add3A_88, %select_n3A_76 : vector<512x512xi1>, vector<512x512xf32>
    %get3A_100 = arith.constant 2048 : index
    %get3A_101 = arith.constant 0 : index
    %get3A_102 = vector.load %arg2[%get3A_100, %get3A_101] : memref<8192x256xf32, #tpu.memory_space<vmem>>, vector<512x256xf32>
    %get3A_103 = arith.constant 0 : index
    %get3A_104 = arith.constant 2048 : index
    %get3A_105 = vector.load %arg4[%get3A_103, %get3A_104] : memref<1x8192xf32, #tpu.memory_space<vmem>>, vector<1x512xf32>
    %dot_general3A_106 = arith.constant dense<0.000000e+00> : vector<512x512xf32>
    %dot_general3A_107 = tpu.matmul %mul3A_7, %get3A_102, %dot_general3A_106 {dimension_numbers = #tpu.dot_dimension_numbers<[1], [1], [0], [0], [0, 0, 1, 0], [], []>, transpose_lhs_hint = false} : vector<512x256xf32>, vector<512x256xf32>, vector<512x512xf32> -> vector<512x512xf32>
    %add3A_108 = vector.broadcast %broadcast_in_dim3A : vector<512x1xf32> to vector<512x512xf32>
    %add3A_109 = vector.broadcast %get3A_105 : vector<1x512xf32> to vector<512x512xf32>
    %add3A_110 = arith.addf %add3A_108, %add3A_109 : vector<512x512xf32>
    %add3A_111 = arith.addf %add3A_110, %dot_general3A_107 : vector<512x512xf32>
    %reduce_min3A_112 = arith.constant dense<0x7F800000> : vector<512xf32>
    %reduce_min3A_113 = vector.multi_reduction <minimumf>, %add3A_111, %reduce_min3A_112 [1] : vector<512x512xf32> to vector<512xf32>
    %broadcast_in_dim3A_114 = vector.shape_cast %reduce_min3A_113 : vector<512xf32> to vector<512x1xf32>
    %lt3A_115 = arith.cmpf olt, %broadcast_in_dim3A_114, %select_n3A_93 : vector<512x1xf32>
    %select_n3A_116 = arith.select %lt3A_115, %broadcast_in_dim3A_114, %select_n3A_93 : vector<512x1xi1>, vector<512x1xf32>
    %jit3A_117 = arith.constant 2048 : i32
    %broadcast_in_dim3A_118 = vector.broadcast %jit3A_117 : i32 to vector<512x1xi32>
    %select_n3A_119 = arith.select %lt3A_115, %broadcast_in_dim3A_118, %select_n3A_96 : vector<512x1xi1>, vector<512x1xi32>
    %broadcast_in_dim3A_120 = vector.shape_cast %lt3A_115 : vector<512x1xi1> to vector<512x1xi1>
    %broadcast_in_dim3A_121 = vector.broadcast %broadcast_in_dim3A_120 : vector<512x1xi1> to vector<512x512xi1>
    %select_n3A_122 = arith.select %broadcast_in_dim3A_121, %add3A_111, %select_n3A_99 : vector<512x512xi1>, vector<512x512xf32>
    %get3A_123 = arith.constant 2560 : index
    %get3A_124 = arith.constant 0 : index
    %get3A_125 = vector.load %arg2[%get3A_123, %get3A_124] : memref<8192x256xf32, #tpu.memory_space<vmem>>, vector<512x256xf32>
    %get3A_126 = arith.constant 0 : index
    %get3A_127 = arith.constant 2560 : index
    %get3A_128 = vector.load %arg4[%get3A_126, %get3A_127] : memref<1x8192xf32, #tpu.memory_space<vmem>>, vector<1x512xf32>
    %dot_general3A_129 = arith.constant dense<0.000000e+00> : vector<512x512xf32>
    %dot_general3A_130 = tpu.matmul %mul3A_7, %get3A_125, %dot_general3A_129 {dimension_numbers = #tpu.dot_dimension_numbers<[1], [1], [0], [0], [0, 0, 1, 0], [], []>, transpose_lhs_hint = false} : vector<512x256xf32>, vector<512x256xf32>, vector<512x512xf32> -> vector<512x512xf32>
    %add3A_131 = vector.broadcast %broadcast_in_dim3A : vector<512x1xf32> to vector<512x512xf32>
    %add3A_132 = vector.broadcast %get3A_128 : vector<1x512xf32> to vector<512x512xf32>
    %add3A_133 = arith.addf %add3A_131, %add3A_132 : vector<512x512xf32>
    %add3A_134 = arith.addf %add3A_133, %dot_general3A_130 : vector<512x512xf32>
    %reduce_min3A_135 = arith.constant dense<0x7F800000> : vector<512xf32>
    %reduce_min3A_136 = vector.multi_reduction <minimumf>, %add3A_134, %reduce_min3A_135 [1] : vector<512x512xf32> to vector<512xf32>
    %broadcast_in_dim3A_137 = vector.shape_cast %reduce_min3A_136 : vector<512xf32> to vector<512x1xf32>
    %lt3A_138 = arith.cmpf olt, %broadcast_in_dim3A_137, %select_n3A_116 : vector<512x1xf32>
    %select_n3A_139 = arith.select %lt3A_138, %broadcast_in_dim3A_137, %select_n3A_116 : vector<512x1xi1>, vector<512x1xf32>
    %jit3A_140 = arith.constant 2560 : i32
    %broadcast_in_dim3A_141 = vector.broadcast %jit3A_140 : i32 to vector<512x1xi32>
    %select_n3A_142 = arith.select %lt3A_138, %broadcast_in_dim3A_141, %select_n3A_119 : vector<512x1xi1>, vector<512x1xi32>
    %broadcast_in_dim3A_143 = vector.shape_cast %lt3A_138 : vector<512x1xi1> to vector<512x1xi1>
    %broadcast_in_dim3A_144 = vector.broadcast %broadcast_in_dim3A_143 : vector<512x1xi1> to vector<512x512xi1>
    %select_n3A_145 = arith.select %broadcast_in_dim3A_144, %add3A_134, %select_n3A_122 : vector<512x512xi1>, vector<512x512xf32>
    %get3A_146 = arith.constant 3072 : index
    %get3A_147 = arith.constant 0 : index
    %get3A_148 = vector.load %arg2[%get3A_146, %get3A_147] : memref<8192x256xf32, #tpu.memory_space<vmem>>, vector<512x256xf32>
    %get3A_149 = arith.constant 0 : index
    %get3A_150 = arith.constant 3072 : index
    %get3A_151 = vector.load %arg4[%get3A_149, %get3A_150] : memref<1x8192xf32, #tpu.memory_space<vmem>>, vector<1x512xf32>
    %dot_general3A_152 = arith.constant dense<0.000000e+00> : vector<512x512xf32>
    %dot_general3A_153 = tpu.matmul %mul3A_7, %get3A_148, %dot_general3A_152 {dimension_numbers = #tpu.dot_dimension_numbers<[1], [1], [0], [0], [0, 0, 1, 0], [], []>, transpose_lhs_hint = false} : vector<512x256xf32>, vector<512x256xf32>, vector<512x512xf32> -> vector<512x512xf32>
    %add3A_154 = vector.broadcast %broadcast_in_dim3A : vector<512x1xf32> to vector<512x512xf32>
    %add3A_155 = vector.broadcast %get3A_151 : vector<1x512xf32> to vector<512x512xf32>
    %add3A_156 = arith.addf %add3A_154, %add3A_155 : vector<512x512xf32>
    %add3A_157 = arith.addf %add3A_156, %dot_general3A_153 : vector<512x512xf32>
    %reduce_min3A_158 = arith.constant dense<0x7F800000> : vector<512xf32>
    %reduce_min3A_159 = vector.multi_reduction <minimumf>, %add3A_157, %reduce_min3A_158 [1] : vector<512x512xf32> to vector<512xf32>
    %broadcast_in_dim3A_160 = vector.shape_cast %reduce_min3A_159 : vector<512xf32> to vector<512x1xf32>
    %lt3A_161 = arith.cmpf olt, %broadcast_in_dim3A_160, %select_n3A_139 : vector<512x1xf32>
    %select_n3A_162 = arith.select %lt3A_161, %broadcast_in_dim3A_160, %select_n3A_139 : vector<512x1xi1>, vector<512x1xf32>
    %jit3A_163 = arith.constant 3072 : i32
    %broadcast_in_dim3A_164 = vector.broadcast %jit3A_163 : i32 to vector<512x1xi32>
    %select_n3A_165 = arith.select %lt3A_161, %broadcast_in_dim3A_164, %select_n3A_142 : vector<512x1xi1>, vector<512x1xi32>
    %broadcast_in_dim3A_166 = vector.shape_cast %lt3A_161 : vector<512x1xi1> to vector<512x1xi1>
    %broadcast_in_dim3A_167 = vector.broadcast %broadcast_in_dim3A_166 : vector<512x1xi1> to vector<512x512xi1>
    %select_n3A_168 = arith.select %broadcast_in_dim3A_167, %add3A_157, %select_n3A_145 : vector<512x512xi1>, vector<512x512xf32>
    %get3A_169 = arith.constant 3584 : index
    %get3A_170 = arith.constant 0 : index
    %get3A_171 = vector.load %arg2[%get3A_169, %get3A_170] : memref<8192x256xf32, #tpu.memory_space<vmem>>, vector<512x256xf32>
    %get3A_172 = arith.constant 0 : index
    %get3A_173 = arith.constant 3584 : index
    %get3A_174 = vector.load %arg4[%get3A_172, %get3A_173] : memref<1x8192xf32, #tpu.memory_space<vmem>>, vector<1x512xf32>
    %dot_general3A_175 = arith.constant dense<0.000000e+00> : vector<512x512xf32>
    %dot_general3A_176 = tpu.matmul %mul3A_7, %get3A_171, %dot_general3A_175 {dimension_numbers = #tpu.dot_dimension_numbers<[1], [1], [0], [0], [0, 0, 1, 0], [], []>, transpose_lhs_hint = false} : vector<512x256xf32>, vector<512x256xf32>, vector<512x512xf32> -> vector<512x512xf32>
    %add3A_177 = vector.broadcast %broadcast_in_dim3A : vector<512x1xf32> to vector<512x512xf32>
    %add3A_178 = vector.broadcast %get3A_174 : vector<1x512xf32> to vector<512x512xf32>
    %add3A_179 = arith.addf %add3A_177, %add3A_178 : vector<512x512xf32>
    %add3A_180 = arith.addf %add3A_179, %dot_general3A_176 : vector<512x512xf32>
    %reduce_min3A_181 = arith.constant dense<0x7F800000> : vector<512xf32>
    %reduce_min3A_182 = vector.multi_reduction <minimumf>, %add3A_180, %reduce_min3A_181 [1] : vector<512x512xf32> to vector<512xf32>
    %broadcast_in_dim3A_183 = vector.shape_cast %reduce_min3A_182 : vector<512xf32> to vector<512x1xf32>
    %lt3A_184 = arith.cmpf olt, %broadcast_in_dim3A_183, %select_n3A_162 : vector<512x1xf32>
    %select_n3A_185 = arith.select %lt3A_184, %broadcast_in_dim3A_183, %select_n3A_162 : vector<512x1xi1>, vector<512x1xf32>
    %jit3A_186 = arith.constant 3584 : i32
    %broadcast_in_dim3A_187 = vector.broadcast %jit3A_186 : i32 to vector<512x1xi32>
    %select_n3A_188 = arith.select %lt3A_184, %broadcast_in_dim3A_187, %select_n3A_165 : vector<512x1xi1>, vector<512x1xi32>
    %broadcast_in_dim3A_189 = vector.shape_cast %lt3A_184 : vector<512x1xi1> to vector<512x1xi1>
    %broadcast_in_dim3A_190 = vector.broadcast %broadcast_in_dim3A_189 : vector<512x1xi1> to vector<512x512xi1>
    %select_n3A_191 = arith.select %broadcast_in_dim3A_190, %add3A_180, %select_n3A_168 : vector<512x512xi1>, vector<512x512xf32>
    %get3A_192 = arith.constant 4096 : index
    %get3A_193 = arith.constant 0 : index
    %get3A_194 = vector.load %arg2[%get3A_192, %get3A_193] : memref<8192x256xf32, #tpu.memory_space<vmem>>, vector<512x256xf32>
    %get3A_195 = arith.constant 0 : index
    %get3A_196 = arith.constant 4096 : index
    %get3A_197 = vector.load %arg4[%get3A_195, %get3A_196] : memref<1x8192xf32, #tpu.memory_space<vmem>>, vector<1x512xf32>
    %dot_general3A_198 = arith.constant dense<0.000000e+00> : vector<512x512xf32>
    %dot_general3A_199 = tpu.matmul %mul3A_7, %get3A_194, %dot_general3A_198 {dimension_numbers = #tpu.dot_dimension_numbers<[1], [1], [0], [0], [0, 0, 1, 0], [], []>, transpose_lhs_hint = false} : vector<512x256xf32>, vector<512x256xf32>, vector<512x512xf32> -> vector<512x512xf32>
    %add3A_200 = vector.broadcast %broadcast_in_dim3A : vector<512x1xf32> to vector<512x512xf32>
    %add3A_201 = vector.broadcast %get3A_197 : vector<1x512xf32> to vector<512x512xf32>
    %add3A_202 = arith.addf %add3A_200, %add3A_201 : vector<512x512xf32>
    %add3A_203 = arith.addf %add3A_202, %dot_general3A_199 : vector<512x512xf32>
    %reduce_min3A_204 = arith.constant dense<0x7F800000> : vector<512xf32>
    %reduce_min3A_205 = vector.multi_reduction <minimumf>, %add3A_203, %reduce_min3A_204 [1] : vector<512x512xf32> to vector<512xf32>
    %broadcast_in_dim3A_206 = vector.shape_cast %reduce_min3A_205 : vector<512xf32> to vector<512x1xf32>
    %lt3A_207 = arith.cmpf olt, %broadcast_in_dim3A_206, %select_n3A_185 : vector<512x1xf32>
    %select_n3A_208 = arith.select %lt3A_207, %broadcast_in_dim3A_206, %select_n3A_185 : vector<512x1xi1>, vector<512x1xf32>
    %jit3A_209 = arith.constant 4096 : i32
    %broadcast_in_dim3A_210 = vector.broadcast %jit3A_209 : i32 to vector<512x1xi32>
    %select_n3A_211 = arith.select %lt3A_207, %broadcast_in_dim3A_210, %select_n3A_188 : vector<512x1xi1>, vector<512x1xi32>
    %broadcast_in_dim3A_212 = vector.shape_cast %lt3A_207 : vector<512x1xi1> to vector<512x1xi1>
    %broadcast_in_dim3A_213 = vector.broadcast %broadcast_in_dim3A_212 : vector<512x1xi1> to vector<512x512xi1>
    %select_n3A_214 = arith.select %broadcast_in_dim3A_213, %add3A_203, %select_n3A_191 : vector<512x512xi1>, vector<512x512xf32>
    %get3A_215 = arith.constant 4608 : index
    %get3A_216 = arith.constant 0 : index
    %get3A_217 = vector.load %arg2[%get3A_215, %get3A_216] : memref<8192x256xf32, #tpu.memory_space<vmem>>, vector<512x256xf32>
    %get3A_218 = arith.constant 0 : index
    %get3A_219 = arith.constant 4608 : index
    %get3A_220 = vector.load %arg4[%get3A_218, %get3A_219] : memref<1x8192xf32, #tpu.memory_space<vmem>>, vector<1x512xf32>
    %dot_general3A_221 = arith.constant dense<0.000000e+00> : vector<512x512xf32>
    %dot_general3A_222 = tpu.matmul %mul3A_7, %get3A_217, %dot_general3A_221 {dimension_numbers = #tpu.dot_dimension_numbers<[1], [1], [0], [0], [0, 0, 1, 0], [], []>, transpose_lhs_hint = false} : vector<512x256xf32>, vector<512x256xf32>, vector<512x512xf32> -> vector<512x512xf32>
    %add3A_223 = vector.broadcast %broadcast_in_dim3A : vector<512x1xf32> to vector<512x512xf32>
    %add3A_224 = vector.broadcast %get3A_220 : vector<1x512xf32> to vector<512x512xf32>
    %add3A_225 = arith.addf %add3A_223, %add3A_224 : vector<512x512xf32>
    %add3A_226 = arith.addf %add3A_225, %dot_general3A_222 : vector<512x512xf32>
    %reduce_min3A_227 = arith.constant dense<0x7F800000> : vector<512xf32>
    %reduce_min3A_228 = vector.multi_reduction <minimumf>, %add3A_226, %reduce_min3A_227 [1] : vector<512x512xf32> to vector<512xf32>
    %broadcast_in_dim3A_229 = vector.shape_cast %reduce_min3A_228 : vector<512xf32> to vector<512x1xf32>
    %lt3A_230 = arith.cmpf olt, %broadcast_in_dim3A_229, %select_n3A_208 : vector<512x1xf32>
    %select_n3A_231 = arith.select %lt3A_230, %broadcast_in_dim3A_229, %select_n3A_208 : vector<512x1xi1>, vector<512x1xf32>
    %jit3A_232 = arith.constant 4608 : i32
    %broadcast_in_dim3A_233 = vector.broadcast %jit3A_232 : i32 to vector<512x1xi32>
    %select_n3A_234 = arith.select %lt3A_230, %broadcast_in_dim3A_233, %select_n3A_211 : vector<512x1xi1>, vector<512x1xi32>
    %broadcast_in_dim3A_235 = vector.shape_cast %lt3A_230 : vector<512x1xi1> to vector<512x1xi1>
    %broadcast_in_dim3A_236 = vector.broadcast %broadcast_in_dim3A_235 : vector<512x1xi1> to vector<512x512xi1>
    %select_n3A_237 = arith.select %broadcast_in_dim3A_236, %add3A_226, %select_n3A_214 : vector<512x512xi1>, vector<512x512xf32>
    %get3A_238 = arith.constant 5120 : index
    %get3A_239 = arith.constant 0 : index
    %get3A_240 = vector.load %arg2[%get3A_238, %get3A_239] : memref<8192x256xf32, #tpu.memory_space<vmem>>, vector<512x256xf32>
    %get3A_241 = arith.constant 0 : index
    %get3A_242 = arith.constant 5120 : index
    %get3A_243 = vector.load %arg4[%get3A_241, %get3A_242] : memref<1x8192xf32, #tpu.memory_space<vmem>>, vector<1x512xf32>
    %dot_general3A_244 = arith.constant dense<0.000000e+00> : vector<512x512xf32>
    %dot_general3A_245 = tpu.matmul %mul3A_7, %get3A_240, %dot_general3A_244 {dimension_numbers = #tpu.dot_dimension_numbers<[1], [1], [0], [0], [0, 0, 1, 0], [], []>, transpose_lhs_hint = false} : vector<512x256xf32>, vector<512x256xf32>, vector<512x512xf32> -> vector<512x512xf32>
    %add3A_246 = vector.broadcast %broadcast_in_dim3A : vector<512x1xf32> to vector<512x512xf32>
    %add3A_247 = vector.broadcast %get3A_243 : vector<1x512xf32> to vector<512x512xf32>
    %add3A_248 = arith.addf %add3A_246, %add3A_247 : vector<512x512xf32>
    %add3A_249 = arith.addf %add3A_248, %dot_general3A_245 : vector<512x512xf32>
    %reduce_min3A_250 = arith.constant dense<0x7F800000> : vector<512xf32>
    %reduce_min3A_251 = vector.multi_reduction <minimumf>, %add3A_249, %reduce_min3A_250 [1] : vector<512x512xf32> to vector<512xf32>
    %broadcast_in_dim3A_252 = vector.shape_cast %reduce_min3A_251 : vector<512xf32> to vector<512x1xf32>
    %lt3A_253 = arith.cmpf olt, %broadcast_in_dim3A_252, %select_n3A_231 : vector<512x1xf32>
    %select_n3A_254 = arith.select %lt3A_253, %broadcast_in_dim3A_252, %select_n3A_231 : vector<512x1xi1>, vector<512x1xf32>
    %jit3A_255 = arith.constant 5120 : i32
    %broadcast_in_dim3A_256 = vector.broadcast %jit3A_255 : i32 to vector<512x1xi32>
    %select_n3A_257 = arith.select %lt3A_253, %broadcast_in_dim3A_256, %select_n3A_234 : vector<512x1xi1>, vector<512x1xi32>
    %broadcast_in_dim3A_258 = vector.shape_cast %lt3A_253 : vector<512x1xi1> to vector<512x1xi1>
    %broadcast_in_dim3A_259 = vector.broadcast %broadcast_in_dim3A_258 : vector<512x1xi1> to vector<512x512xi1>
    %select_n3A_260 = arith.select %broadcast_in_dim3A_259, %add3A_249, %select_n3A_237 : vector<512x512xi1>, vector<512x512xf32>
    %get3A_261 = arith.constant 5632 : index
    %get3A_262 = arith.constant 0 : index
    %get3A_263 = vector.load %arg2[%get3A_261, %get3A_262] : memref<8192x256xf32, #tpu.memory_space<vmem>>, vector<512x256xf32>
    %get3A_264 = arith.constant 0 : index
    %get3A_265 = arith.constant 5632 : index
    %get3A_266 = vector.load %arg4[%get3A_264, %get3A_265] : memref<1x8192xf32, #tpu.memory_space<vmem>>, vector<1x512xf32>
    %dot_general3A_267 = arith.constant dense<0.000000e+00> : vector<512x512xf32>
    %dot_general3A_268 = tpu.matmul %mul3A_7, %get3A_263, %dot_general3A_267 {dimension_numbers = #tpu.dot_dimension_numbers<[1], [1], [0], [0], [0, 0, 1, 0], [], []>, transpose_lhs_hint = false} : vector<512x256xf32>, vector<512x256xf32>, vector<512x512xf32> -> vector<512x512xf32>
    %add3A_269 = vector.broadcast %broadcast_in_dim3A : vector<512x1xf32> to vector<512x512xf32>
    %add3A_270 = vector.broadcast %get3A_266 : vector<1x512xf32> to vector<512x512xf32>
    %add3A_271 = arith.addf %add3A_269, %add3A_270 : vector<512x512xf32>
    %add3A_272 = arith.addf %add3A_271, %dot_general3A_268 : vector<512x512xf32>
    %reduce_min3A_273 = arith.constant dense<0x7F800000> : vector<512xf32>
    %reduce_min3A_274 = vector.multi_reduction <minimumf>, %add3A_272, %reduce_min3A_273 [1] : vector<512x512xf32> to vector<512xf32>
    %broadcast_in_dim3A_275 = vector.shape_cast %reduce_min3A_274 : vector<512xf32> to vector<512x1xf32>
    %lt3A_276 = arith.cmpf olt, %broadcast_in_dim3A_275, %select_n3A_254 : vector<512x1xf32>
    %select_n3A_277 = arith.select %lt3A_276, %broadcast_in_dim3A_275, %select_n3A_254 : vector<512x1xi1>, vector<512x1xf32>
    %jit3A_278 = arith.constant 5632 : i32
    %broadcast_in_dim3A_279 = vector.broadcast %jit3A_278 : i32 to vector<512x1xi32>
    %select_n3A_280 = arith.select %lt3A_276, %broadcast_in_dim3A_279, %select_n3A_257 : vector<512x1xi1>, vector<512x1xi32>
    %broadcast_in_dim3A_281 = vector.shape_cast %lt3A_276 : vector<512x1xi1> to vector<512x1xi1>
    %broadcast_in_dim3A_282 = vector.broadcast %broadcast_in_dim3A_281 : vector<512x1xi1> to vector<512x512xi1>
    %select_n3A_283 = arith.select %broadcast_in_dim3A_282, %add3A_272, %select_n3A_260 : vector<512x512xi1>, vector<512x512xf32>
    %get3A_284 = arith.constant 6144 : index
    %get3A_285 = arith.constant 0 : index
    %get3A_286 = vector.load %arg2[%get3A_284, %get3A_285] : memref<8192x256xf32, #tpu.memory_space<vmem>>, vector<512x256xf32>
    %get3A_287 = arith.constant 0 : index
    %get3A_288 = arith.constant 6144 : index
    %get3A_289 = vector.load %arg4[%get3A_287, %get3A_288] : memref<1x8192xf32, #tpu.memory_space<vmem>>, vector<1x512xf32>
    %dot_general3A_290 = arith.constant dense<0.000000e+00> : vector<512x512xf32>
    %dot_general3A_291 = tpu.matmul %mul3A_7, %get3A_286, %dot_general3A_290 {dimension_numbers = #tpu.dot_dimension_numbers<[1], [1], [0], [0], [0, 0, 1, 0], [], []>, transpose_lhs_hint = false} : vector<512x256xf32>, vector<512x256xf32>, vector<512x512xf32> -> vector<512x512xf32>
    %add3A_292 = vector.broadcast %broadcast_in_dim3A : vector<512x1xf32> to vector<512x512xf32>
    %add3A_293 = vector.broadcast %get3A_289 : vector<1x512xf32> to vector<512x512xf32>
    %add3A_294 = arith.addf %add3A_292, %add3A_293 : vector<512x512xf32>
    %add3A_295 = arith.addf %add3A_294, %dot_general3A_291 : vector<512x512xf32>
    %reduce_min3A_296 = arith.constant dense<0x7F800000> : vector<512xf32>
    %reduce_min3A_297 = vector.multi_reduction <minimumf>, %add3A_295, %reduce_min3A_296 [1] : vector<512x512xf32> to vector<512xf32>
    %broadcast_in_dim3A_298 = vector.shape_cast %reduce_min3A_297 : vector<512xf32> to vector<512x1xf32>
    %lt3A_299 = arith.cmpf olt, %broadcast_in_dim3A_298, %select_n3A_277 : vector<512x1xf32>
    %select_n3A_300 = arith.select %lt3A_299, %broadcast_in_dim3A_298, %select_n3A_277 : vector<512x1xi1>, vector<512x1xf32>
    %jit3A_301 = arith.constant 6144 : i32
    %broadcast_in_dim3A_302 = vector.broadcast %jit3A_301 : i32 to vector<512x1xi32>
    %select_n3A_303 = arith.select %lt3A_299, %broadcast_in_dim3A_302, %select_n3A_280 : vector<512x1xi1>, vector<512x1xi32>
    %broadcast_in_dim3A_304 = vector.shape_cast %lt3A_299 : vector<512x1xi1> to vector<512x1xi1>
    %broadcast_in_dim3A_305 = vector.broadcast %broadcast_in_dim3A_304 : vector<512x1xi1> to vector<512x512xi1>
    %select_n3A_306 = arith.select %broadcast_in_dim3A_305, %add3A_295, %select_n3A_283 : vector<512x512xi1>, vector<512x512xf32>
    %get3A_307 = arith.constant 6656 : index
    %get3A_308 = arith.constant 0 : index
    %get3A_309 = vector.load %arg2[%get3A_307, %get3A_308] : memref<8192x256xf32, #tpu.memory_space<vmem>>, vector<512x256xf32>
    %get3A_310 = arith.constant 0 : index
    %get3A_311 = arith.constant 6656 : index
    %get3A_312 = vector.load %arg4[%get3A_310, %get3A_311] : memref<1x8192xf32, #tpu.memory_space<vmem>>, vector<1x512xf32>
    %dot_general3A_313 = arith.constant dense<0.000000e+00> : vector<512x512xf32>
    %dot_general3A_314 = tpu.matmul %mul3A_7, %get3A_309, %dot_general3A_313 {dimension_numbers = #tpu.dot_dimension_numbers<[1], [1], [0], [0], [0, 0, 1, 0], [], []>, transpose_lhs_hint = false} : vector<512x256xf32>, vector<512x256xf32>, vector<512x512xf32> -> vector<512x512xf32>
    %add3A_315 = vector.broadcast %broadcast_in_dim3A : vector<512x1xf32> to vector<512x512xf32>
    %add3A_316 = vector.broadcast %get3A_312 : vector<1x512xf32> to vector<512x512xf32>
    %add3A_317 = arith.addf %add3A_315, %add3A_316 : vector<512x512xf32>
    %add3A_318 = arith.addf %add3A_317, %dot_general3A_314 : vector<512x512xf32>
    %reduce_min3A_319 = arith.constant dense<0x7F800000> : vector<512xf32>
    %reduce_min3A_320 = vector.multi_reduction <minimumf>, %add3A_318, %reduce_min3A_319 [1] : vector<512x512xf32> to vector<512xf32>
    %broadcast_in_dim3A_321 = vector.shape_cast %reduce_min3A_320 : vector<512xf32> to vector<512x1xf32>
    %lt3A_322 = arith.cmpf olt, %broadcast_in_dim3A_321, %select_n3A_300 : vector<512x1xf32>
    %select_n3A_323 = arith.select %lt3A_322, %broadcast_in_dim3A_321, %select_n3A_300 : vector<512x1xi1>, vector<512x1xf32>
    %jit3A_324 = arith.constant 6656 : i32
    %broadcast_in_dim3A_325 = vector.broadcast %jit3A_324 : i32 to vector<512x1xi32>
    %select_n3A_326 = arith.select %lt3A_322, %broadcast_in_dim3A_325, %select_n3A_303 : vector<512x1xi1>, vector<512x1xi32>
    %broadcast_in_dim3A_327 = vector.shape_cast %lt3A_322 : vector<512x1xi1> to vector<512x1xi1>
    %broadcast_in_dim3A_328 = vector.broadcast %broadcast_in_dim3A_327 : vector<512x1xi1> to vector<512x512xi1>
    %select_n3A_329 = arith.select %broadcast_in_dim3A_328, %add3A_318, %select_n3A_306 : vector<512x512xi1>, vector<512x512xf32>
    %get3A_330 = arith.constant 7168 : index
    %get3A_331 = arith.constant 0 : index
    %get3A_332 = vector.load %arg2[%get3A_330, %get3A_331] : memref<8192x256xf32, #tpu.memory_space<vmem>>, vector<512x256xf32>
    %get3A_333 = arith.constant 0 : index
    %get3A_334 = arith.constant 7168 : index
    %get3A_335 = vector.load %arg4[%get3A_333, %get3A_334] : memref<1x8192xf32, #tpu.memory_space<vmem>>, vector<1x512xf32>
    %dot_general3A_336 = arith.constant dense<0.000000e+00> : vector<512x512xf32>
    %dot_general3A_337 = tpu.matmul %mul3A_7, %get3A_332, %dot_general3A_336 {dimension_numbers = #tpu.dot_dimension_numbers<[1], [1], [0], [0], [0, 0, 1, 0], [], []>, transpose_lhs_hint = false} : vector<512x256xf32>, vector<512x256xf32>, vector<512x512xf32> -> vector<512x512xf32>
    %add3A_338 = vector.broadcast %broadcast_in_dim3A : vector<512x1xf32> to vector<512x512xf32>
    %add3A_339 = vector.broadcast %get3A_335 : vector<1x512xf32> to vector<512x512xf32>
    %add3A_340 = arith.addf %add3A_338, %add3A_339 : vector<512x512xf32>
    %add3A_341 = arith.addf %add3A_340, %dot_general3A_337 : vector<512x512xf32>
    %reduce_min3A_342 = arith.constant dense<0x7F800000> : vector<512xf32>
    %reduce_min3A_343 = vector.multi_reduction <minimumf>, %add3A_341, %reduce_min3A_342 [1] : vector<512x512xf32> to vector<512xf32>
    %broadcast_in_dim3A_344 = vector.shape_cast %reduce_min3A_343 : vector<512xf32> to vector<512x1xf32>
    %lt3A_345 = arith.cmpf olt, %broadcast_in_dim3A_344, %select_n3A_323 : vector<512x1xf32>
    %select_n3A_346 = arith.select %lt3A_345, %broadcast_in_dim3A_344, %select_n3A_323 : vector<512x1xi1>, vector<512x1xf32>
    %jit3A_347 = arith.constant 7168 : i32
    %broadcast_in_dim3A_348 = vector.broadcast %jit3A_347 : i32 to vector<512x1xi32>
    %select_n3A_349 = arith.select %lt3A_345, %broadcast_in_dim3A_348, %select_n3A_326 : vector<512x1xi1>, vector<512x1xi32>
    %broadcast_in_dim3A_350 = vector.shape_cast %lt3A_345 : vector<512x1xi1> to vector<512x1xi1>
    %broadcast_in_dim3A_351 = vector.broadcast %broadcast_in_dim3A_350 : vector<512x1xi1> to vector<512x512xi1>
    %select_n3A_352 = arith.select %broadcast_in_dim3A_351, %add3A_341, %select_n3A_329 : vector<512x512xi1>, vector<512x512xf32>
    %get3A_353 = arith.constant 7680 : index
    %get3A_354 = arith.constant 0 : index
    %get3A_355 = vector.load %arg2[%get3A_353, %get3A_354] : memref<8192x256xf32, #tpu.memory_space<vmem>>, vector<512x256xf32>
    %get3A_356 = arith.constant 0 : index
    %get3A_357 = arith.constant 7680 : index
    %get3A_358 = vector.load %arg4[%get3A_356, %get3A_357] : memref<1x8192xf32, #tpu.memory_space<vmem>>, vector<1x512xf32>
    %dot_general3A_359 = arith.constant dense<0.000000e+00> : vector<512x512xf32>
    %dot_general3A_360 = tpu.matmul %mul3A_7, %get3A_355, %dot_general3A_359 {dimension_numbers = #tpu.dot_dimension_numbers<[1], [1], [0], [0], [0, 0, 1, 0], [], []>, transpose_lhs_hint = false} : vector<512x256xf32>, vector<512x256xf32>, vector<512x512xf32> -> vector<512x512xf32>
    %add3A_361 = vector.broadcast %broadcast_in_dim3A : vector<512x1xf32> to vector<512x512xf32>
    %add3A_362 = vector.broadcast %get3A_358 : vector<1x512xf32> to vector<512x512xf32>
    %add3A_363 = arith.addf %add3A_361, %add3A_362 : vector<512x512xf32>
    %add3A_364 = arith.addf %add3A_363, %dot_general3A_360 : vector<512x512xf32>
    %reduce_min3A_365 = arith.constant dense<0x7F800000> : vector<512xf32>
    %reduce_min3A_366 = vector.multi_reduction <minimumf>, %add3A_364, %reduce_min3A_365 [1] : vector<512x512xf32> to vector<512xf32>
    %broadcast_in_dim3A_367 = vector.shape_cast %reduce_min3A_366 : vector<512xf32> to vector<512x1xf32>
    %lt3A_368 = arith.cmpf olt, %broadcast_in_dim3A_367, %select_n3A_346 : vector<512x1xf32>
    %select_n3A_369 = arith.select %lt3A_368, %broadcast_in_dim3A_367, %select_n3A_346 : vector<512x1xi1>, vector<512x1xf32>
    %jit3A_370 = arith.constant 7680 : i32
    %broadcast_in_dim3A_371 = vector.broadcast %jit3A_370 : i32 to vector<512x1xi32>
    %select_n3A_372 = arith.select %lt3A_368, %broadcast_in_dim3A_371, %select_n3A_349 : vector<512x1xi1>, vector<512x1xi32>
    %broadcast_in_dim3A_373 = vector.shape_cast %lt3A_368 : vector<512x1xi1> to vector<512x1xi1>
    %broadcast_in_dim3A_374 = vector.broadcast %broadcast_in_dim3A_373 : vector<512x1xi1> to vector<512x512xi1>
    %select_n3A_375 = arith.select %broadcast_in_dim3A_374, %add3A_364, %select_n3A_352 : vector<512x512xi1>, vector<512x512xf32>
    %iota3A = tpu.iota {dimensions = array<i32: 1>} : vector<512x512xi32>
    %convert_element_type3A_376 = arith.sitofp %iota3A : vector<512x512xi32> to vector<512x512xf32>
    %sub3A = vector.broadcast %select_n3A_369 : vector<512x1xf32> to vector<512x512xf32>
    %sub3A_377 = arith.subf %select_n3A_375, %sub3A : vector<512x512xf32>
    %mul3A_378 = arith.constant 1.000000e+30 : f32
    %mul3A_379 = vector.broadcast %mul3A_378 : f32 to vector<512x512xf32>
    %mul3A_380 = arith.mulf %sub3A_377, %mul3A_379 : vector<512x512xf32>
    %add3A_381 = arith.addf %mul3A_380, %convert_element_type3A_376 : vector<512x512xf32>
    %reduce_min3A_382 = arith.constant dense<0x7F800000> : vector<512xf32>
    %reduce_min3A_383 = vector.multi_reduction <minimumf>, %add3A_381, %reduce_min3A_382 [1] : vector<512x512xf32> to vector<512xf32>
    %broadcast_in_dim3A_384 = vector.shape_cast %reduce_min3A_383 : vector<512xf32> to vector<512x1xf32>
    %convert_element_type3A_385 = arith.fptosi %broadcast_in_dim3A_384 : vector<512x1xf32> to vector<512x1xi32>
    %add3A_386 = arith.addi %convert_element_type3A_385, %select_n3A_372 : vector<512x1xi32>
    %swap3A = arith.constant 0 : index
    %swap3A_387 = arith.constant 0 : index
    %swap3A_388 = vector.load %arg3[%swap3A, %swap3A_387] : memref<512x1xi32, #tpu.memory_space<vmem>>, vector<512x1xi32>
    tpu.vector_store %arg3[%swap3A, %swap3A_387], %add3A_386 {strides = array<i32>} : memref<512x1xi32, #tpu.memory_space<vmem>>, vector<512x1xi32>,
    return
  }
  func.func @transform_0(%arg0: i32) -> (i32, i32) {
    %c0_i32 = arith.constant 0 : i32
    %c0_i32_0 = arith.constant 0 : i32
    return %arg0, %c0_i32 : i32, i32
  }
  func.func @transform_1(%arg0: i32) -> (i32, i32) {
    %c0_i32 = arith.constant 0 : i32
    %c0_i32_0 = arith.constant 0 : i32
    %c0_i32_1 = arith.constant 0 : i32
    return %c0_i32, %c0_i32_0 : i32, i32
  }
  func.func @transform_2(%arg0: i32) -> (i32, i32) {
    %c0_i32 = arith.constant 0 : i32
    %c0_i32_0 = arith.constant 0 : i32
    return %arg0, %c0_i32 : i32, i32
  }
}

</mosaic_0001>

<sc_bundles>
// kernel: kernel.4.cloned.1.call-start
scs
__scs_entry_jumppad:
0x0: {  	(pc) =	sbr.rel $0x88, $3  }
0x1: {  	(tag) =	ssettag $0x0;
	lr =	simm.s32 $0x1  }
0x2: {  	[smem:$0x3F9F] =	sst lr;
	_ =	strace $0xD0000000  }
0x3: {  	_ = 	snop  }
0x4: {  	_ = 	snop  }
0x5: {  	_ = 	snop  }
0x6: {  	_ = 	snop  }
0x7: {  	_ = 	snop  }
__scs_overlays_trampoline_lowered:
0x8: {  	[smem:$0x3FAE] =	sst s0  }
0x9: {  	[smem:$0x3FAF] =	sst s1  }
0xa: {  	[smem:$0x3FB0] =	sst s2  }
0xb: {  	[smem:$0x3FB1] =	sst s3  }
0xc: {  	[smem:$0x3FB2] =	sst s4  }
0xd: {  	[smem:$0x3FB3] =	sst s5  }
0xe: {  	[smem:$0x3FB4] =	sst s6  }
0xf: {  	[smem:$0x3FB5] =	sst s7  }
0x10: {  	[smem:$0x3FB6] =	sst s8  }
0x11: {  	[smem:$0x3FB7] =	sst s9;
	s0 =	simm.s32 @!p0 $0x0  }
0x12: {  	s1 =	sld [smem:$0x3F9D];
	s0 =	simm.s32 @p0 $0x1  }
0x13: {  	[smem:$0x3FB8] =	sst s0;
	s0 =	simm.s32 @!p1 $0x0  }
0x14: {  	s2 =	sld [smem:$0x3F9C];
	s0 =	simm.s32 @p1 $0x1  }
0x15: {  	[smem:$0x3FB9] =	sst s0;
	s0 =	simm.s32 @!p2 $0x0  }
0x16: {  	s3 =	sld [smem:$0x3FDB];
	s0 =	simm.s32 @p2 $0x1  }
0x17: {  	s4 =	simm.s32 $0x1BF5;
	[smem:$0x3FBB] =	sst s0  }
0x18: {  	s0 =	sld [smem:$0x3F9E];
	_ =	swait.ge [sflag:s4], $0x0  }
0x19: {  	s7 =	sld [smem:$0x3F9F]  }
0x1a: {  	s8 =	sadd.s32 $0xFFFFE003, lr  }
0x1b: {  	s9 =	sadd.s32 $0xFFFFFEF7, lr;
	s5 =	simm.s32 $0xFFFFFFFF;
	p2 =	slt.u32 s8, $0xFFFFF086  }
0x1c: {  	p1 =	slt.u32 s9, $0xF7A;
	s5 =	simm.s32 @!p2 $0x0  }
0x1d: {  	s5 =	simm.s32 @p1 $0x1;
	p0 =	seq.s32 s7, s2  }
0x1e: {  	s7 =	smul.u32 @!p0 $0xF7A, s2;
	p2 =	seq.s32 @!p0 s5, $0x0  }
0x1f: {  	s9 =	smul.u32 $0xF7A, s1;
	s8 =	simm.s32 @!p0 $0x1BF5;
	p2 =	por !p2, p0  }
0x20: {  	[sflag:s8] =	ssyncset.s32 @!p0 $0xFFFFF086;
	s6 =	sadd.s32 @!p0 s3, s7;
	s7 =	simm.s32 @!p0 $0x108  }
0x21: {  	s3 =	sadd.s32 s3, s9;
	s6 =	sadd.s32 @!p0 $0x88, s6;
	s7 =	simm.s32 @p2 $0x1082  }
0x22: {  	[simem:s7], [sflag:s8] =	dma.local @!p0 [hbm:s6], $0xF7A  }
0x23: {  	s9 =	sor.u32 $0xD0000000, s2;
	s6 =	simm.s32 $0x108;
	_ =	swait.ge @!p0 [sflag:s8], $0x0  }
0x24: {  	s3 =	sadd.s32 $0x88, s3;
	s6 =	simm.s32 @!p1 $0x1082;
	[sflag:s4] =	ssyncset.s32 $0xFFFFF086  }
0x25: {  	[simem:s6], [sflag:s4] =	dma.local [hbm:s3], $0xF7A  }
0x26: {  	[smem:$0x3F9F] =	sst s1;
	(tag) =	ssettag s2;
	_ =	strace s9  }
0x27: {  	s1 =	sld [smem:$0x3FAF]  }
0x28: {  	s2 =	sld [smem:$0x3FB0]  }
0x29: {  	s4 =	sld [smem:$0x3FB2]  }
0x2a: {  	p0 =	seq.s32 s5, $0x0;
	s5 =	sld [smem:$0x3FB3]  }
0x2b: {  	s6 =	sld [smem:$0x3FB4]  }
0x2c: {  	s7 =	sld [smem:$0x3FB5]  }
0x2d: {  	s3 =	simm.s32 $0x108;
	s8 =	sld [smem:$0x3FB6]  }
0x2e: {  	s3 =	simm.s32 @!p0 $0x1082;
	s9 =	sld [smem:$0x3FB7]  }
0x2f: {  	lr =	sadd.s32 s0, s3;
	s0 =	sld [smem:$0x3FAE]  }
0x30: {  	s3 =	sld [smem:$0x3FB1]  }
0x31: {  	[smem:$0x3FBA] =	sst s10  }
0x32: {  	s10 =	sld [smem:$0x3FB8];
	_ =	sdelay $0x3  }
0x33: {  	p0 =	seq.s32 s10, $0x1;
	s10 =	sld [smem:$0x3FBA];
	_ =	sdelay $0x3  }
0x34: {  	[smem:$0x3FBA] =	sst s10  }
0x35: {  	s10 =	sld [smem:$0x3FB9];
	_ =	sdelay $0x3  }
0x36: {  	p1 =	seq.s32 s10, $0x1;
	s10 =	sld [smem:$0x3FBA];
	_ =	sdelay $0x3  }
0x37: {  	[smem:$0x3FBA] =	sst s10  }
0x38: {  	s10 =	sld [smem:$0x3FBB]  }
0x39: {  	_ = 	snop;
	(pc) =	sbr.ind lr, $3  }
0x3a: {  	_ = 	snop  }
0x3b: {  	_ = 	snop  }
0x3c: {  	p2 =	seq.s32 s10, $0x1;
	s10 =	sld [smem:$0x3FBA]  }
0x3d: {  	_ =	shalt  }
0x3e: {  	_ =	shalt  }
0x3f: {  	_ =	shalt  }
0x40: {  	_ =	shalt  }
0x41: {  	_ =	shalt  }
0x42: {  	_ =	shalt  }
0x43: {  	_ =	shalt  }
0x44: {  	_ =	shalt  }
0x45: {  	_ =	shalt  }
0x46: {  	_ =	shalt  }
0x47: {  	_ =	shalt  }
0x48: {  	_ =	shalt  }
0x49: {  	_ =	shalt  }
0x4a: {  	_ =	shalt  }
0x4b: {  	_ =	shalt  }
0x4c: {  	_ =	shalt  }
0x4d: {  	_ =	shalt  }
0x4e: {  	_ =	shalt  }
0x4f: {  	_ =	shalt  }
0x50: {  	_ =	shalt  }
0x51: {  	_ =	shalt  }
0x52: {  	_ =	shalt  }
0x53: {  	_ =	shalt  }
0x54: {  	_ =	shalt  }
0x55: {  	_ =	shalt  }
0x56: {  	_ =	shalt  }
0x57: {  	_ =	shalt  }
0x58: {  	_ =	shalt  }
0x59: {  	_ =	shalt  }
0x5a: {  	_ =	shalt  }
0x5b: {  	_ =	shalt  }
0x5c: {  	_ =	shalt  }
0x5d: {  	_ =	shalt  }
0x5e: {  	_ =	shalt  }
0x5f: {  	_ =	shalt  }
0x60: {  	_ =	shalt  }
0x61: {  	_ =	shalt  }
0x62: {  	_ =	shalt  }
0x63: {  	_ =	shalt  }
0x64: {  	_ =	shalt  }
0x65: {  	_ =	shalt  }
0x66: {  	_ =	shalt  }
0x67: {  	_ =	shalt  }
0x68: {  	_ =	shalt  }
0x69: {  	_ =	shalt  }
0x6a: {  	_ =	shalt  }
0x6b: {  	_ =	shalt  }
0x6c: {  	_ =	shalt  }
0x6d: {  	_ =	shalt  }
0x6e: {  	_ =	shalt  }
0x6f: {  	_ =	shalt  }
0x70: {  	_ =	shalt  }
0x71: {  	_ =	shalt  }
0x72: {  	_ =	shalt  }
0x73: {  	_ =	shalt  }
0x74: {  	_ =	shalt  }
0x75: {  	_ =	shalt  }
0x76: {  	_ =	shalt  }
0x77: {  	_ =	shalt  }
0x78: {  	_ =	shalt  }
0x79: {  	_ =	shalt  }
0x7a: {  	_ =	shalt  }
0x7b: {  	_ =	shalt  }
0x7c: {  	_ =	shalt  }
0x7d: {  	_ =	shalt  }
0x7e: {  	_ =	shalt  }
0x7f: {  	_ =	shalt  }
0x80: {  	_ =	shalt  }
0x81: {  	_ =	shalt  }
0x82: {  	_ =	shalt  }
0x83: {  	_ =	shalt  }
0x84: {  	_ =	shalt  }
0x85: {  	_ =	shalt  }
0x86: {  	_ =	shalt  }
0x87: {  	_ =	shalt  }
.Lfunc_end0:
.L_simem_size_0:
called_computation_lowered:
.L_overlay_start_0:
0x88: {  	s2 =	sld [smem:$0x3FD9]  }
0x89: {  	s3 =	sld [smem:$0x3FFE];
	_ =	sdelay $0x1  }
0x8a: {  	s1 =	srdreg.scid  }
0x8b: {  	s0 =	sand.u32 $0x1, s1  }
0x8c: {  	s17 =	sshll.u32 s0, $0xA;
	s2 =	sadd.s32 s3, s2  }
0x8d: {  	s2 =	sadd.s32 s2, s17  }
0x8e: {  	[smem:$0x3FC6] =	sst s2  }
0x8f: {  	_ = 	snop  }
0x90: {  	s2 =	sld [smem:$0x3FC8]  }
0x91: {  	s18 =	sld [smem:$0x3FD0];
	(tm) =	ssettm $0x1  }
0x92: {  	s4 =	sld [smem:$0x3FFB];
	_ =	sdelay $0x3  }
0x93: {  	_ =	strace s4  }
0x94: {  	s4 =	sld [smem:$0x3FFC];
	_ =	sdelay $0x3  }
0x95: {  	_ =	strace s4  }
0x96: {  	s4 =	sld [smem:$0x3FFD];
	_ =	sdelay $0x3  }
0x97: {  	_ =	strace s4  }
0x98: {  	_ =	strace $0x8FFFFFFF  }
0x99: {  	s19 =	sld [smem:$0x3FDB];
	_ =	sdelay $0x1  }
0x9a: {  	s5 =	simm.s32 $_scs_section_size  }
0x9b: {  	s6 =	simm.s32 $_size__tile_overlayer_lowered;
	s7 =	simm.s32 $_tile_overlayer_lowered  }
0x9c: {  	s22 =	simm.s32 $0x1BFF;
	s21 =	sshll.u32 s7, $0x1;
	s4 =	sadd.s32 s5, s19  }
0x9d: {  	s8 =	simm.s32 $0x0;
	s20 =	sshll.u32 s6, $0x1;
	s6 =	sadd.s32 s21, s4  }
0x9e: {  	[timem:s8], [sflag:s22] =	dma.local [hbm:s6], s20  }
0x9f: {  	_ =	swait.ge [sflag:s22], s20  }
0xa0: {  	s5 =	ssub.s32 $0x0, s20;
	[sflag:s22] =	ssyncset.done $0x0  }
0xa1: {  	[sflag:s22] =	ssyncadd.s32 s5;
	_ =	sdelay $0x1  }
0xa2: {  	s23 =	simm.s32 $0x1B8B  }
0xa3: {  	_ =	swait.ge [sflag:s23], $0x1  }
0xa4: {  	[sflag:s23] =	ssyncset.done $0x0  }
0xa5: {  	s25 =	simm.s32 $0x1B8E;
	s24 =	sld [smem:$0x3FFE];
	[sflag:s23] =	ssyncadd.s32 $0xFFFFFFFF  }
0xa6: {  	s26 =	simm.s32 $execute0_lowered;
	[smem:$0x3FD2] =	sst s25  }
0xa7: {  	s6 =	sshll.u32 s26, $0x1;
	_ =	strace $0x80000046;
	[dreg:$0x1] =	wrdreg $0xFFFFFFFF  }
0xa8: {  	s28 =	simm.s32 $_size_execute0_lowered;
	s4 =	sadd.s32 s4, s6;
	[dreg:$0x0] =	wrdreg $0x0  }
0xa9: {  	s6 =	sshll.u32 s28, $0x1;
	[dreg:$0x2] =	wrdreg s4  }
0xaa: {  	[dreg:$0x3] =	wrdreg s6  }
0xab: {  	[dreg:$0x4] =	wrdreg $0xC0  }
0xac: {  	_ =	task [dreg:s8], $0x5FFFF  }
0xad: {  	[dreg:$0x1] =	wrdreg $0xFFFFFFFF  }
0xae: {  	[dreg:$0x0] =	wrdreg $0x60  }
0xaf: {  	[dreg:$0x2] =	wrdreg s2  }
0xb0: {  	[dreg:$0x3] =	wrdreg s24  }
0xb1: {  	[dreg:$0x4] =	wrdreg s18  }
0xb2: {  	[dreg:$0x5] =	wrdreg $0x9  }
0xb3: {  	_ =	task.clear_ibuf [dreg:s8], $0x6FFFF;
	_ =	strace $0x90000046  }
0xb4: {  	s29 =	simm.s32 $0x9;
	_ =	strace $0x80000048  }
0xb5: {  	_ =	swait.ge [sflag:s29], $0x1  }
0xb6: {  	[sflag:s29] =	ssyncadd.s32 $0xFFFFFFFF  }
0xb7: {  	_ =	strace $0x90000048  }
0xb8: {  	_ =	sfence  }
0xb9: {  	s30 =	sld [smem:$0x0];
	_ =	sdelay $0x2  }
0xba: {  	s31 =	sshll.u32 s1, $0xD;
	s1 =	sshrl.u32 s1, $0x2  }
0xbb: {  	s3 =	sand.u32 $0x4000, s31;
	s1 =	sadd.s32 s1, s30  }
0xbc: {  	s0 =	sor.u32 s3, s0;
	s1 =	sshll.u32 s1, $0x11  }
0xbd: {  	s0 =	sor.u32 s1, s0  }
0xbe: {  	s0 =	sadd.s32 $0x8F2B, s0  }
0xbf: {  	[sflag:s0] =	ssyncadd.remote.s32 $0x1  }
0xc0: {  	_ =	sfence.sel $0xFFFF  }
0xc1: {  	[dreg:$0x0] =	wrdreg $0xFFFFFFFF;
	(pc) =	sbr.abs _section_cstart, $3  }
0xc2: {  	[dreg:$0x1] =	wrdreg $0xFFFFFFFF  }
0xc3: {  	_ =	task.clear_ibuf [dreg:s8], $0x2FFFF;
	_ =	strace $0x9FFFFFFF  }
0xc4: {  	(tm) =	ssettm $0x7FFFFFFF  }
0xc5: {  	_ =	shalt  }
tec
execute0_lowered:
.L_overlay_start_1:
0x0: {  	(tag) =	ssettag $0x1  }
0x1: {  	s1 =	rddreg [dreg:$0x0]  }
0x2: {  	s0 =	rddreg [dreg:$0x1]  }
0x3: {  	s4 =	rddreg [dreg:$0x2]  }
0x4: {  	s3 =	srdreg.scid;
	s2 =	stileid.u32  }
0x5: {  	s17 =	simm.s32 $0x80;
	s18 =	simm.s32 $0x900;
	s19 =	simm.s32 $0x1100  }
0x6: {  	s20 =	simm.s32 $0x1900;
	s5 =	sand.u32 $0x1, s3;
	s3 =	simm.s32 $0x0  }
0x7: {  	s22 =	simm.s32 $0x2100;
	s23 =	simm.s32 $0x2900;
	[smem:$0x7FF] =	sst s3  }
0x8: {  	s24 =	simm.s32 $0x3100;
	_ =	strace $0x80000047;
	[dreg:$0x8] =	wrdreg s17  }
0x9: {  	s25 =	simm.s32 $0x3900;
	s26 =	simm.s32 $0x4100;
	[dreg:$0x9] =	wrdreg s18  }
0xa: {  	s10 =	simm.s32 $0x6100;
	s11 =	simm.s32 $0x6900;
	[dreg:$0xa] =	wrdreg s19  }
0xb: {  	s12 =	simm.s32 $0x7100;
	s13 =	simm.s32 $0x7900;
	[dreg:$0xb] =	wrdreg s20  }
0xc: {  	s28 =	simm.s32 $0xE900;
	s29 =	simm.s32 $0xF100;
	[dreg:$0xc] =	wrdreg s22  }
0xd: {  	s30 =	simm.s32 $0xF900;
	s31 =	simm.s32 $0x1;
	[dreg:$0xd] =	wrdreg s23  }
0xe: {  	s6 =	sshll.u32 s2, $0x9;
	s0 =	sadd.s32 $0x400, s0;
	[dreg:$0xe] =	wrdreg s24  }
0xf: {  	s7 =	sshll.u32 s5, $0x8;
	s21 =	ssub.s32 $0x2, s5;
	[dreg:$0xf] =	wrdreg s25  }
0x10: {  	s6 =	sor.u32 s7, s6;
	s5 =	sshrl.u32 s21, $0x1;
	[dreg:$0x10] =	wrdreg s26  }
0x11: {  	s17 =	simm.s32 $0x9900;
	s18 =	simm.s32 $0xA100;
	s19 =	simm.s32 $0xA900  }
0x12: {  	s20 =	simm.s32 $0xB100;
	s22 =	simm.s32 $0xC100;
	s23 =	simm.s32 $0xC900  }
0x13: {  	s24 =	simm.s32 $0xD100;
	s25 =	simm.s32 $0xD900;
	s26 =	simm.s32 $0xE100  }
0x14: {  	s7 =	sshrl.u32 s6, $0x3;
	s8 =	sor.u32 $0x80, s6;
	s6 =	sshll.u32 s6, $0x5  }
0x15: {  	s7 =	sadd.s32 s0, s7;
	s9 =	sshrl.u32 s8, $0x3;
	s14 =	sadd.s32 s4, s6  }
0x16: {  	s15 =	sshll.u32 s8, $0x5;
	s6 =	simm.s32 $0x100;
	[dreg:$0x4] =	wrdreg s7  }
0x17: {  	s8 =	simm.s32 $0x5100;
	s0 =	sadd.s32 s0, s9;
	[dreg:$0x6] =	wrdreg s14  }
0x18: {  	s16 =	sadd.s32 s4, s15;
	s4 =	ssub.s32 s21, s5;
	s5 =	simm.s32 $0x3  }
0x19: {  	v2 =	vlaneseq.u32;
	s9 =	simm.s32 $0x5900;
	s14 =	simm.s32 $0x8100;
	[dreg:$0x5] =	wrdreg s0  }
0x1a: {  	vm0 =	vmmov $0xffff;
	v1 =	vshrl.u32 v2, $0x3;
	s15 =	simm.s32 $0x8900;
	s21 =	simm.s32 $0xB900;
	[dreg:$0x7] =	wrdreg s16  }
0x1b: {  	v0 =	vand.u32 $0x7, v2;
	v2 =	vor.u32 $0x8, v2;
	v1 =	vmul.u32 $0x8, v1;
	s4 =	smax.u32 s4, $0x1;
	s16 =	simm.s32 $0x9100;
	s0 =	simm.s32 $0x2  }
.LBB2_1:
0x1c: {  	s2 =	rddreg [dreg:$0x4]  }
0x1d: {  	[tilespmem:s3], [sflag:$0x3] =	stream.linear.gather [hbm4b:s2+s3], $0x80, $0x38;
	[tilespmem:$0x10100] =	vst v63  }
0x1e: {  	_ =	swait.ge [sflag:s5], $0x80  }
0x1f: {  	s2 =	rddreg [dreg:$0x5];
	[sflag:s5] =	ssyncset.done $0x0  }
0x20: {  	s7 =	rddreg [dreg:$0x8];
	[sflag:s5] =	ssyncadd.s32 $0xFFFFFF80  }
0x21: {  	[tilespmem:s7], [sflag:$0x3] =	stream.linear.gather [hbm4b:s2+s3], $0x80, $0x38;
	[tilespmem:$0x10100] =	vst v63  }
0x22: {  	_ =	swait.ge [sflag:s5], $0x80  }
0x23: {  	[sflag:s5] =	ssyncset.done $0x0  }
0x24: {  	[sflag:s5] =	ssyncadd.s32 $0xFFFFFF80  }
0x25: {  	v3 =	vld [tilespmem:$0x0];
	_ =	sdelay $0x4  }
0x26: {  	v4 =	vshll.u32 v3, $0x1  }
0x27: {  	v3 =	vand.u32 $0x7, v3;
	v4 =	vand.u32 $0xFFFFFFF0, v4  }
0x28: {  	v3 =	vor.u32 v3, v4  }
0x29: {  	v4 =	vperm.xlane v3, v0;
	_ =	sdelay $0x1  }
0x2a: {  	v3 =	vperm.xlane v3, v2;
	v4 =	vadd.s32 v1, v4;
	_ =	sdelay $0x1  }
0x2b: {  	v3 =	vadd.s32 v1, v3;
	_ =	sdelay $0x2  }
0x2c: {  	[tilespmem:s6], [sflag:$0x1] =	stream.indirect_vreg.gather [hbm4b:s1+s3], $0x80, v4, vm0, $0xb8;
	[tilespmem:$0x10100] =	vst v63  }
0x2d: {  	s7 =	rddreg [dreg:$0x9]  }
0x2e: {  	[tilespmem:s7], [sflag:$0x1] =	stream.indirect_vreg.gather [hbm4b:s1+s3], $0x80, v3, vm0, $0xb8;
	[tilespmem:$0x10100] =	vst v63  }
0x2f: {  	v3 =	vld [tilespmem:$0x10];
	_ =	sdelay $0x4  }
0x30: {  	v49 =	vshll.u32 v3, $0x1  }
0x31: {  	v3 =	vand.u32 $0x7, v3;
	v4 =	vand.u32 $0xFFFFFFF0, v49  }
0x32: {  	v3 =	vor.u32 v3, v4  }
0x33: {  	v4 =	vperm.xlane v3, v0;
	_ =	sdelay $0x1  }
0x34: {  	v3 =	vperm.xlane v3, v2;
	v4 =	vadd.s32 v1, v4;
	_ =	sdelay $0x1  }
0x35: {  	v3 =	vadd.s32 v1, v3;
	_ =	sdelay $0x1  }
0x36: {  	s2 =	rddreg [dreg:$0xa]  }
0x37: {  	[tilespmem:s2], [sflag:$0x1] =	stream.indirect_vreg.gather [hbm4b:s1+s3], $0x80, v4, vm0, $0xb8;
	[tilespmem:$0x10100] =	vst v63  }
0x38: {  	s7 =	rddreg [dreg:$0xb]  }
0x39: {  	[tilespmem:s7], [sflag:$0x1] =	stream.indirect_vreg.gather [hbm4b:s1+s3], $0x80, v3, vm0, $0xb8;
	[tilespmem:$0x10100] =	vst v63  }
0x3a: {  	v3 =	vld [tilespmem:$0x20];
	_ =	sdelay $0x4  }
0x3b: {  	v50 =	vshll.u32 v3, $0x1  }
0x3c: {  	v3 =	vand.u32 $0x7, v3;
	v4 =	vand.u32 $0xFFFFFFF0, v50  }
0x3d: {  	v3 =	vor.u32 v3, v4  }
0x3e: {  	v4 =	vperm.xlane v3, v0;
	_ =	sdelay $0x1  }
0x3f: {  	v3 =	vperm.xlane v3, v2;
	v4 =	vadd.s32 v1, v4;
	_ =	sdelay $0x1  }
0x40: {  	v3 =	vadd.s32 v1, v3;
	_ =	sdelay $0x1  }
0x41: {  	s2 =	rddreg [dreg:$0xc]  }
0x42: {  	[tilespmem:s2], [sflag:$0x1] =	stream.indirect_vreg.gather [hbm4b:s1+s3], $0x80, v4, vm0, $0xb8;
	[tilespmem:$0x10100] =	vst v63  }
0x43: {  	s7 =	rddreg [dreg:$0xd]  }
0x44: {  	[tilespmem:s7], [sflag:$0x1] =	stream.indirect_vreg.gather [hbm4b:s1+s3], $0x80, v3, vm0, $0xb8;
	[tilespmem:$0x10100] =	vst v63  }
0x45: {  	v3 =	vld [tilespmem:$0x30];
	_ =	sdelay $0x4  }
0x46: {  	v51 =	vshll.u32 v3, $0x1  }
0x47: {  	v3 =	vand.u32 $0x7, v3;
	v4 =	vand.u32 $0xFFFFFFF0, v51  }
0x48: {  	v3 =	vor.u32 v3, v4  }
0x49: {  	v4 =	vperm.xlane v3, v0;
	_ =	sdelay $0x1  }
0x4a: {  	v3 =	vperm.xlane v3, v2;
	v4 =	vadd.s32 v1, v4;
	_ =	sdelay $0x1  }
0x4b: {  	v3 =	vadd.s32 v1, v3;
	_ =	sdelay $0x1  }
0x4c: {  	s2 =	rddreg [dreg:$0xe]  }
0x4d: {  	[tilespmem:s2], [sflag:$0x1] =	stream.indirect_vreg.gather [hbm4b:s1+s3], $0x80, v4, vm0, $0xb8;
	[tilespmem:$0x10100] =	vst v63  }
0x4e: {  	s7 =	rddreg [dreg:$0xf]  }
0x4f: {  	[tilespmem:s7], [sflag:$0x1] =	stream.indirect_vreg.gather [hbm4b:s1+s3], $0x80, v3, vm0, $0xb8;
	[tilespmem:$0x10100] =	vst v63  }
0x50: {  	v3 =	vld [tilespmem:$0x40];
	_ =	sdelay $0x4  }
0x51: {  	v52 =	vshll.u32 v3, $0x1  }
0x52: {  	v3 =	vand.u32 $0x7, v3;
	v4 =	vand.u32 $0xFFFFFFF0, v52  }
0x53: {  	v3 =	vor.u32 v3, v4  }
0x54: {  	v4 =	vperm.xlane v3, v0;
	_ =	sdelay $0x1  }
0x55: {  	v3 =	vperm.xlane v3, v2;
	v4 =	vadd.s32 v1, v4;
	_ =	sdelay $0x1  }
0x56: {  	v3 =	vadd.s32 v1, v3;
	_ =	sdelay $0x1  }
0x57: {  	s7 =	rddreg [dreg:$0x10]  }
0x58: {  	[tilespmem:s7], [sflag:$0x1] =	stream.indirect_vreg.gather [hbm4b:s1+s3], $0x80, v4, vm0, $0xb8;
	[tilespmem:$0x10100] =	vst v63  }
0x59: {  	s7 =	simm.s32 $0x4900  }
0x5a: {  	[tilespmem:s7], [sflag:$0x1] =	stream.indirect_vreg.gather [hbm4b:s1+s3], $0x80, v3, vm0, $0xb8;
	[tilespmem:$0x10100] =	vst v63  }
0x5b: {  	v3 =	vld [tilespmem:$0x50];
	_ =	sdelay $0x4  }
0x5c: {  	v53 =	vshll.u32 v3, $0x1  }
0x5d: {  	v3 =	vand.u32 $0x7, v3;
	v4 =	vand.u32 $0xFFFFFFF0, v53  }
0x5e: {  	v3 =	vor.u32 v3, v4  }
0x5f: {  	v4 =	vperm.xlane v3, v0;
	_ =	sdelay $0x1  }
0x60: {  	v3 =	vperm.xlane v3, v2;
	v4 =	vadd.s32 v1, v4;
	_ =	sdelay $0x1  }
0x61: {  	v3 =	vadd.s32 v1, v3;
	_ =	sdelay $0x2  }
0x62: {  	[tilespmem:s8], [sflag:$0x1] =	stream.indirect_vreg.gather [hbm4b:s1+s3], $0x80, v4, vm0, $0xb8;
	[tilespmem:$0x10100] =	vst v63  }
0x63: {  	_ = 	snop  }
0x64: {  	[tilespmem:s9], [sflag:$0x1] =	stream.indirect_vreg.gather [hbm4b:s1+s3], $0x80, v3, vm0, $0xb8;
	[tilespmem:$0x10100] =	vst v63  }
0x65: {  	v3 =	vld [tilespmem:$0x60];
	_ =	sdelay $0x4  }
0x66: {  	v54 =	vshll.u32 v3, $0x1  }
0x67: {  	v3 =	vand.u32 $0x7, v3;
	v4 =	vand.u32 $0xFFFFFFF0, v54  }
0x68: {  	v3 =	vor.u32 v3, v4  }
0x69: {  	v4 =	vperm.xlane v3, v0;
	_ =	sdelay $0x1  }
0x6a: {  	v3 =	vperm.xlane v3, v2;
	v4 =	vadd.s32 v1, v4;
	_ =	sdelay $0x1  }
0x6b: {  	v3 =	vadd.s32 v1, v3;
	_ =	sdelay $0x2  }
0x6c: {  	[tilespmem:s10], [sflag:$0x1] =	stream.indirect_vreg.gather [hbm4b:s1+s3], $0x80, v4, vm0, $0xb8;
	[tilespmem:$0x10100] =	vst v63  }
0x6d: {  	_ = 	snop  }
0x6e: {  	[tilespmem:s11], [sflag:$0x1] =	stream.indirect_vreg.gather [hbm4b:s1+s3], $0x80, v3, vm0, $0xb8;
	[tilespmem:$0x10100] =	vst v63  }
0x6f: {  	v3 =	vld [tilespmem:$0x70];
	_ =	sdelay $0x4  }
0x70: {  	v55 =	vshll.u32 v3, $0x1  }
0x71: {  	v3 =	vand.u32 $0x7, v3;
	v4 =	vand.u32 $0xFFFFFFF0, v55  }
0x72: {  	v3 =	vor.u32 v3, v4  }
0x73: {  	v4 =	vperm.xlane v3, v0;
	_ =	sdelay $0x1  }
0x74: {  	v3 =	vperm.xlane v3, v2;
	v4 =	vadd.s32 v1, v4;
	_ =	sdelay $0x1  }
0x75: {  	v3 =	vadd.s32 v1, v3;
	_ =	sdelay $0x2  }
0x76: {  	[tilespmem:s12], [sflag:$0x1] =	stream.indirect_vreg.gather [hbm4b:s1+s3], $0x80, v4, vm0, $0xb8;
	[tilespmem:$0x10100] =	vst v63  }
0x77: {  	_ = 	snop  }
0x78: {  	[tilespmem:s13], [sflag:$0x1] =	stream.indirect_vreg.gather [hbm4b:s1+s3], $0x80, v3, vm0, $0xb8;
	[tilespmem:$0x10100] =	vst v63  }
0x79: {  	v3 =	vld [tilespmem:$0x80];
	_ =	sdelay $0x4  }
0x7a: {  	v56 =	vshll.u32 v3, $0x1  }
0x7b: {  	v3 =	vand.u32 $0x7, v3;
	v4 =	vand.u32 $0xFFFFFFF0, v56  }
0x7c: {  	v3 =	vor.u32 v3, v4  }
0x7d: {  	v4 =	vperm.xlane v3, v0;
	_ =	sdelay $0x1  }
0x7e: {  	v3 =	vperm.xlane v3, v2;
	v4 =	vadd.s32 v1, v4;
	_ =	sdelay $0x1  }
0x7f: {  	v3 =	vadd.s32 v1, v3;
	_ =	sdelay $0x2  }
0x80: {  	[tilespmem:s14], [sflag:$0x1] =	stream.indirect_vreg.gather [hbm4b:s1+s3], $0x80, v4, vm0, $0xb8;
	[tilespmem:$0x10100] =	vst v63  }
0x81: {  	_ = 	snop  }
0x82: {  	[tilespmem:s15], [sflag:$0x1] =	stream.indirect_vreg.gather [hbm4b:s1+s3], $0x80, v3, vm0, $0xb8;
	[tilespmem:$0x10100] =	vst v63  }
0x83: {  	v3 =	vld [tilespmem:$0x90];
	_ =	sdelay $0x4  }
0x84: {  	v57 =	vshll.u32 v3, $0x1  }
0x85: {  	v3 =	vand.u32 $0x7, v3;
	v4 =	vand.u32 $0xFFFFFFF0, v57  }
0x86: {  	v3 =	vor.u32 v3, v4  }
0x87: {  	v4 =	vperm.xlane v3, v0;
	_ =	sdelay $0x1  }
0x88: {  	v3 =	vperm.xlane v3, v2;
	v4 =	vadd.s32 v1, v4;
	_ =	sdelay $0x1  }
0x89: {  	v3 =	vadd.s32 v1, v3;
	_ =	sdelay $0x2  }
0x8a: {  	[tilespmem:s16], [sflag:$0x1] =	stream.indirect_vreg.gather [hbm4b:s1+s3], $0x80, v4, vm0, $0xb8;
	[tilespmem:$0x10100] =	vst v63  }
0x8b: {  	_ = 	snop  }
0x8c: {  	[tilespmem:s17], [sflag:$0x1] =	stream.indirect_vreg.gather [hbm4b:s1+s3], $0x80, v3, vm0, $0xb8;
	[tilespmem:$0x10100] =	vst v63  }
0x8d: {  	v3 =	vld [tilespmem:$0xA0];
	_ =	sdelay $0x4  }
0x8e: {  	v58 =	vshll.u32 v3, $0x1  }
0x8f: {  	v3 =	vand.u32 $0x7, v3;
	v4 =	vand.u32 $0xFFFFFFF0, v58  }
0x90: {  	v3 =	vor.u32 v3, v4  }
0x91: {  	v4 =	vperm.xlane v3, v0;
	_ =	sdelay $0x1  }
0x92: {  	v3 =	vperm.xlane v3, v2;
	v4 =	vadd.s32 v1, v4;
	_ =	sdelay $0x1  }
0x93: {  	v3 =	vadd.s32 v1, v3;
	_ =	sdelay $0x2  }
0x94: {  	[tilespmem:s18], [sflag:$0x1] =	stream.indirect_vreg.gather [hbm4b:s1+s3], $0x80, v4, vm0, $0xb8;
	[tilespmem:$0x10100] =	vst v63  }
0x95: {  	_ = 	snop  }
0x96: {  	[tilespmem:s19], [sflag:$0x1] =	stream.indirect_vreg.gather [hbm4b:s1+s3], $0x80, v3, vm0, $0xb8;
	[tilespmem:$0x10100] =	vst v63  }
0x97: {  	v3 =	vld [tilespmem:$0xB0];
	_ =	sdelay $0x4  }
0x98: {  	v59 =	vshll.u32 v3, $0x1  }
0x99: {  	v3 =	vand.u32 $0x7, v3;
	v4 =	vand.u32 $0xFFFFFFF0, v59  }
0x9a: {  	v3 =	vor.u32 v3, v4  }
0x9b: {  	v4 =	vperm.xlane v3, v0;
	_ =	sdelay $0x1  }
0x9c: {  	v3 =	vperm.xlane v3, v2;
	v4 =	vadd.s32 v1, v4;
	_ =	sdelay $0x1  }
0x9d: {  	v3 =	vadd.s32 v1, v3;
	_ =	sdelay $0x2  }
0x9e: {  	[tilespmem:s20], [sflag:$0x1] =	stream.indirect_vreg.gather [hbm4b:s1+s3], $0x80, v4, vm0, $0xb8;
	[tilespmem:$0x10100] =	vst v63  }
0x9f: {  	_ = 	snop  }
0xa0: {  	[tilespmem:s21], [sflag:$0x1] =	stream.indirect_vreg.gather [hbm4b:s1+s3], $0x80, v3, vm0, $0xb8;
	[tilespmem:$0x10100] =	vst v63  }
0xa1: {  	v3 =	vld [tilespmem:$0xC0];
	_ =	sdelay $0x4  }
0xa2: {  	v60 =	vshll.u32 v3, $0x1  }
0xa3: {  	v3 =	vand.u32 $0x7, v3;
	v4 =	vand.u32 $0xFFFFFFF0, v60  }
0xa4: {  	v3 =	vor.u32 v3, v4  }
0xa5: {  	v4 =	vperm.xlane v3, v0;
	_ =	sdelay $0x1  }
0xa6: {  	v3 =	vperm.xlane v3, v2;
	v4 =	vadd.s32 v1, v4;
	_ =	sdelay $0x1  }
0xa7: {  	v3 =	vadd.s32 v1, v3;
	_ =	sdelay $0x2  }
0xa8: {  	[tilespmem:s22], [sflag:$0x1] =	stream.indirect_vreg.gather [hbm4b:s1+s3], $0x80, v4, vm0, $0xb8;
	[tilespmem:$0x10100] =	vst v63  }
0xa9: {  	_ = 	snop  }
0xaa: {  	[tilespmem:s23], [sflag:$0x1] =	stream.indirect_vreg.gather [hbm4b:s1+s3], $0x80, v3, vm0, $0xb8;
	[tilespmem:$0x10100] =	vst v63  }
0xab: {  	v3 =	vld [tilespmem:$0xD0];
	_ =	sdelay $0x4  }
0xac: {  	v61 =	vshll.u32 v3, $0x1  }
0xad: {  	v3 =	vand.u32 $0x7, v3;
	v4 =	vand.u32 $0xFFFFFFF0, v61  }
0xae: {  	v3 =	vor.u32 v3, v4  }
0xaf: {  	v4 =	vperm.xlane v3, v0;
	_ =	sdelay $0x1  }
0xb0: {  	v3 =	vperm.xlane v3, v2;
	v4 =	vadd.s32 v1, v4;
	_ =	sdelay $0x1  }
0xb1: {  	v3 =	vadd.s32 v1, v3;
	_ =	sdelay $0x2  }
0xb2: {  	[tilespmem:s24], [sflag:$0x1] =	stream.indirect_vreg.gather [hbm4b:s1+s3], $0x80, v4, vm0, $0xb8;
	[tilespmem:$0x10100] =	vst v63  }
0xb3: {  	_ = 	snop  }
0xb4: {  	[tilespmem:s25], [sflag:$0x1] =	stream.indirect_vreg.gather [hbm4b:s1+s3], $0x80, v3, vm0, $0xb8;
	[tilespmem:$0x10100] =	vst v63  }
0xb5: {  	v3 =	vld [tilespmem:$0xE0];
	_ =	sdelay $0x4  }
0xb6: {  	v62 =	vshll.u32 v3, $0x1  }
0xb7: {  	v3 =	vand.u32 $0x7, v3;
	v4 =	vand.u32 $0xFFFFFFF0, v62  }
0xb8: {  	v3 =	vor.u32 v3, v4  }
0xb9: {  	v4 =	vperm.xlane v3, v0;
	_ =	sdelay $0x1  }
0xba: {  	v3 =	vperm.xlane v3, v2;
	v4 =	vadd.s32 v1, v4;
	_ =	sdelay $0x1  }
0xbb: {  	v3 =	vadd.s32 v1, v3;
	_ =	sdelay $0x2  }
0xbc: {  	[tilespmem:s26], [sflag:$0x1] =	stream.indirect_vreg.gather [hbm4b:s1+s3], $0x80, v4, vm0, $0xb8;
	[tilespmem:$0x10100] =	vst v63  }
0xbd: {  	_ = 	snop  }
0xbe: {  	[tilespmem:s28], [sflag:$0x1] =	stream.indirect_vreg.gather [hbm4b:s1+s3], $0x80, v3, vm0, $0xb8;
	[tilespmem:$0x10100] =	vst v63  }
0xbf: {  	v3 =	vld [tilespmem:$0xF0];
	_ =	sdelay $0x4  }
0xc0: {  	v63 =	vshll.u32 v3, $0x1  }
0xc1: {  	v3 =	vand.u32 $0x7, v3;
	v4 =	vand.u32 $0xFFFFFFF0, v63  }
0xc2: {  	v3 =	vor.u32 v3, v4  }
0xc3: {  	v4 =	vperm.xlane v3, v0;
	_ =	sdelay $0x1  }
0xc4: {  	v3 =	vperm.xlane v3, v2;
	v4 =	vadd.s32 v1, v4;
	_ =	sdelay $0x1  }
0xc5: {  	v3 =	vadd.s32 v1, v3;
	_ =	sdelay $0x2  }
0xc6: {  	[tilespmem:s29], [sflag:$0x1] =	stream.indirect_vreg.gather [hbm4b:s1+s3], $0x80, v4, vm0, $0xb8;
	[tilespmem:$0x10100] =	vst v63  }
0xc7: {  	_ = 	snop  }
0xc8: {  	[tilespmem:s30], [sflag:$0x1] =	stream.indirect_vreg.gather [hbm4b:s1+s3], $0x80, v3, vm0, $0xb8;
	[tilespmem:$0x10100] =	vst v63  }
0xc9: {  	_ =	swait.ge [sflag:s31], $0x8000  }
0xca: {  	[sflag:s31] =	ssyncset.done $0x0  }
0xcb: {  	s7 =	rddreg [dreg:$0x6];
	[sflag:s31] =	ssyncadd.s32 $0xFFFF8000  }
0xcc: {  	[hbm4b:s7+s3] =	stream.linear.scatter [tilespmem:s6], [sflag:$0x2], $0x8000, $0x38;
	[tilespmem:$0x10100] =	vst v63  }
0xcd: {  	_ =	swait.ge [sflag:s31], $0x8000  }
0xce: {  	[sflag:s31] =	ssyncset.done $0x0  }
0xcf: {  	s7 =	rddreg [dreg:$0x7];
	[sflag:s31] =	ssyncadd.s32 $0xFFFF8000  }
0xd0: {  	[hbm4b:s7+s3] =	stream.linear.scatter [tilespmem:s14], [sflag:$0x2], $0x8000, $0x38;
	[tilespmem:$0x10100] =	vst v63  }
0xd1: {  	p0 =	sne.s32 s4, $0x1;
	_ =	swait.ge [sflag:s0], $0x8000  }
.Ltmp0:
0xd2: {  	[sflag:s0] =	ssyncset.done $0x0;
	(pc) =	sbr.rel @p0 .LBB2_1-.Ltmp0, $4  }
0xd3: {  	[sflag:s0] =	ssyncadd.s32 $0xFFFF8000  }
0xd4: {  	_ =	swait.ge [sflag:s0], $0x8000  }
0xd5: {  	[sflag:s0] =	ssyncset.done $0x0  }
0xd6: {  	s4 =	sadd.s32 $0xFFFFFFFF, s4;
	[sflag:s0] =	ssyncadd.s32 $0xFFFF8000  }
0xd7: {  	_ =	sfence.sel $0x180000  }
0xd8: {  	[bflag:$0x0] =	sbarrier.arrive $0xFFFF  }
0xd9: {  	_ =	strace $0x90000047  }
0xda: {  	s0 =	stileid.u32;
	[bflag:$0x2] =	sbarrier.arrive $0xFFFF  }
0xdb: {  	p0 =	sne.s32 s0, $0x0;
	s0 =	rddreg [dreg:$0x3]  }
0xdc: {  	s0 =	sadd.s32 @!p0 $0x100000, s0  }
0xdd: {  	[sflag:s0] =	ssyncadd.tile.s32 @!p0 $0x1;
	_ =	shalt  }
.Lfunc_end2:
_tile_overlayer_lowered:
.L_overlay_start_2:
0xde: {  	(tag) =	ssettag $0x2  }
0xdf: {  	s0 =	rddreg [dreg:$0x0];
	s2 =	stileid.u32  }
0xe0: {  	s1 =	rddreg [dreg:$0x1];
	p0 =	sne.s32 s2, $0x0  }
0xe1: {  	s3 =	rddreg [dreg:$0x2];
	[bflag:$0x3] =	sbarrier.arrive $0xFFFF;
	s2 =	simm.s32 @!p0 $0x1C03  }
0xe2: {  	[timem:s3], [sflag:s2] =	dma.local @!p0 [hbm:s0], s1  }
0xe3: {  	s0 =	simm.s32 @!p0 $0x3  }
0xe4: {  	_ =	swait.ge @!p0 [sflag:s0], s1  }
0xe5: {  	s1 =	ssub.s32 @!p0 $0x0, s1;
	[sflag:s0] =	ssyncset.done @!p0 $0x0  }
0xe6: {  	[sflag:s0] =	ssyncadd.s32 @!p0 s1  }
0xe7: {  	[bflag:$0x3] =	sbarrier.arrive $0xFFFF  }
0xe8: {  	_ =	shalt  }

</sc_bundles>
